<compile_context>
chip_gen: v7x
topology: tpu7x:2x2x1
jax: 0.10.2.dev20260603
libtpu: 0.0.44.dev20260713+nightly
codegen_flags: <defaults>
</compile_context>

<pallas_src>
import functools

import jax
import jax.numpy as jnp
from jax import lax
from jax.experimental import pallas as pl
from jax.experimental.pallas import tpu as pltpu
from jax.experimental.pallas import tpu_sc as plsc

N_ROWS = 160000
D_IN = 256
D_OUT = 512
N_SEG = 10000

NC = 2
NS = 16
HALF = D_IN // NC

CHUNK = 80
ROWS_PER_TILE = N_ROWS // NS
N_CHUNKS = ROWS_PER_TILE // CHUNK
NSEG_PAD = 10240
SEG_PER_TILE = NSEG_PAD // NS
ZCH = 128
CNT_W = 16


def _sc_body(x_hbm, ids_hbm, acc_hbm, cnt_hbm,
             acc_s, cnt_s, rows_v, idx_v, ones_v, zbuf, cntbuf):
    c = lax.axis_index("c")
    s = lax.axis_index("s")

    def _zrow(i, _):
        def _zcol(j, _):
            zbuf[i, pl.ds(j * 16, 16)] = jnp.zeros((16,), jnp.float32)
            return 0
        return lax.fori_loop(0, HALF // 16, _zcol, 0)
    lax.fori_loop(0, ZCH, _zrow, 0)

    def _orow(i, _):
        ones_v[i] = jnp.ones((CNT_W,), jnp.float32)
        return 0
    lax.fori_loop(0, CHUNK, _orow, 0)

    def _crow(i, _):
        cntbuf[i] = jnp.zeros((CNT_W,), jnp.float32)
        return 0
    lax.fori_loop(0, SEG_PER_TILE, _crow, 0)

    base = s * SEG_PER_TILE
    for k in range(SEG_PER_TILE // ZCH):
        pltpu.sync_copy(zbuf, acc_s.at[pl.ds(base + k * ZCH, ZCH)])
    pltpu.sync_copy(cntbuf, cnt_s.at[pl.ds(base, SEG_PER_TILE)])
    plsc.subcore_barrier()

    def _chunk(i, _):
        r0 = s * ROWS_PER_TILE + i * CHUNK
        pltpu.sync_copy(ids_hbm.at[pl.ds(r0, CHUNK)], idx_v)
        pltpu.sync_copy(x_hbm.at[pl.ds(r0, CHUNK), c], rows_v)
        pltpu.sync_copy(rows_v, acc_s.at[idx_v], add=True)

        @pl.when(c == 0)
        def _():
            pltpu.sync_copy(ones_v, cnt_s.at[idx_v], add=True)
        return 0
    lax.fori_loop(0, N_CHUNKS, _chunk, 0)
    plsc.subcore_barrier()

    for k in range(SEG_PER_TILE // ZCH):
        off = base + k * ZCH
        pltpu.sync_copy(acc_s.at[pl.ds(off, ZCH)], zbuf)
        pltpu.sync_copy(zbuf, acc_hbm.at[pl.ds(off, ZCH), c])

    @pl.when(c == 0)
    def _():
        pltpu.sync_copy(cnt_s.at[pl.ds(base, SEG_PER_TILE)], cntbuf)
        pltpu.sync_copy(cntbuf, cnt_hbm.at[pl.ds(base, SEG_PER_TILE)])


@jax.jit
def _segsum_sc(x3, ids):
    mesh = plsc.VectorSubcoreMesh(core_axis_name="c", subcore_axis_name="s")
    fn = pl.kernel(
        _sc_body,
        mesh=mesh,
        compiler_params=pltpu.CompilerParams(use_tc_tiling_on_sc=False),
        out_type=(
            jax.ShapeDtypeStruct((NSEG_PAD, NC, HALF), jnp.float32),
            jax.ShapeDtypeStruct((NSEG_PAD, CNT_W), jnp.float32),
        ),
        scratch_types=[
            pltpu.VMEM_SHARED((NSEG_PAD, HALF), jnp.float32),
            pltpu.VMEM_SHARED((NSEG_PAD, CNT_W), jnp.float32),
            pltpu.VMEM((CHUNK, HALF), jnp.float32),
            pltpu.VMEM((CHUNK,), jnp.int32),
            pltpu.VMEM((CHUNK, CNT_W), jnp.float32),
            pltpu.VMEM((ZCH, HALF), jnp.float32),
            pltpu.VMEM((SEG_PER_TILE, CNT_W), jnp.float32),
        ],
    )
    return fn(x3, ids)


def _mm_body(acc_ref, cnt_ref, wt_ref, b_ref, o_ref):
    o_ref[...] = (
        jnp.dot(acc_ref[...], wt_ref[...], preferred_element_type=jnp.float32)
        + cnt_ref[...][:, 0:1] * b_ref[...]
    )


@jax.jit
def _project_tc(acc, cnt, wt, b2):
    bm = 1000
    return pl.pallas_call(
        _mm_body,
        grid=(N_SEG // bm,),
        in_specs=[
            pl.BlockSpec((bm, D_IN), lambda m: (m, 0)),
            pl.BlockSpec((bm, CNT_W), lambda m: (m, 0)),
            pl.BlockSpec((D_IN, D_OUT), lambda m: (0, 0)),
            pl.BlockSpec((1, D_OUT), lambda m: (0, 0)),
        ],
        out_specs=pl.BlockSpec((bm, D_OUT), lambda m: (m, 0)),
        out_shape=jax.ShapeDtypeStruct((N_SEG, D_OUT), jnp.float32),
    )(acc, cnt, wt, b2)


def kernel(x, signal_belongings, W, b):
    ids = signal_belongings.astype(jnp.int32)
    x3 = x.reshape(N_ROWS, NC, HALF)
    acc3, cnt = _segsum_sc(x3, ids)
    acc = acc3.reshape(NSEG_PAD, D_IN)
    return _project_tc(acc, cnt, W.T, b.reshape(1, D_OUT))

# --- scband reference (transcript-rebuilt; emitter-appended) ---
"""Pipeline reference for scband-sum-readout-24378234372721 (READ-ONLY COPY).

The authoritative reference and input builder live on the scoring server;
editing this copy changes nothing except your own understanding.
"""

import jax, jax.numpy as jnp
import numpy as np

NUM_SEGMENTS = 10000


def setup_inputs(seed: int = 0) -> dict:
    key = jax.random.key(seed)
    k1, k2, k3, k4 = jax.random.split(key, 4)
    x = jax.random.normal(k1, (160000, 256), dtype=jnp.float32)
    signal_belongings = jnp.sort(jax.random.randint(k2, (160000,), 0, NUM_SEGMENTS, dtype=jnp.int64))
    # nn.Linear(256, 512): weight [out, in], bias [out]
    W = jax.random.normal(k3, (512, 256), dtype=jnp.float32) * (1.0 / np.sqrt(256.0))
    b = jax.random.normal(k4, (512,), dtype=jnp.float32) * 0.01
    return {"x": x, "signal_belongings": signal_belongings, "W": W, "b": b}


def reference(x, signal_belongings, W, b):
    # projection_needed since in_features != out_features
    h = x @ W.T + b
    # global_add_pool == segment sum over graph ids
    out = jax.ops.segment_sum(h, signal_belongings, num_segments=NUM_SEGMENTS)
    return out

if __name__ == "__main__":
    import jax
    _d = setup_inputs()
    print(jax.jit(kernel)(*tuple(_d.values())))

</pallas_src>

<mosaic_0001>
#map = affine_map<(d0, d1) -> (0, 0, 0)>
#map1 = affine_map<(d0, d1) -> (0)>
#map2 = affine_map<(d0, d1) -> (0, 0)>
module attributes {stable_mosaic.version = 14 : i64} {
  func.func @_sc_body(%arg0: i32, %arg1: i32, %arg2: memref<160000x2x128xf32, #tpu.memory_space<hbm>>, %arg3: memref<160000xi32, #tpu.memory_space<hbm>>, %arg4: memref<10240x2x128xf32, #tpu.memory_space<hbm>>, %arg5: memref<10240x16xf32, #tpu.memory_space<hbm>>, %arg6: memref<10240x128xf32, #tpu.memory_space<vmem_shared>>, %arg7: memref<10240x16xf32, #tpu.memory_space<vmem_shared>>, %arg8: memref<80x128xf32, #tpu.memory_space<vmem>>, %arg9: memref<80xi32, #tpu.memory_space<vmem>>, %arg10: memref<80x16xf32, #tpu.memory_space<vmem>>, %arg11: memref<128x128xf32, #tpu.memory_space<vmem>>, %arg12: memref<640x16xf32, #tpu.memory_space<vmem>>) attributes {dimension_semantics = [#tpu.dimension_semantics<core_parallel>, #tpu.dimension_semantics<subcore_parallel>], iteration_bounds = array<i64: 2, 16>, scalar_prefetch = 0 : i64, scratch_operands = 7 : i64, tpu.core_type = #tpu.core_type<sc_vector_subcore>, window_params = [{transform_indices = #map}, {transform_indices = #map1}, {transform_indices = #map}, {transform_indices = #map2}]} {
    %scan3A = arith.constant 0 : i32
    %scan3A_0 = arith.constant 0 : i32
    %scan3A_1 = arith.constant 128 : i32
    %scan3A_2 = arith.addi %scan3A_0, %scan3A_1 : i32
    %scan3A_3 = arith.constant 1 : i32
    %scan3A_4 = scf.for %scan3A_50 = %scan3A_0 to %scan3A_2 step %scan3A_3 iter_args(%scan3A_51 = %scan3A) -> (i32)  : i32 {
      %scan3A_52 = arith.constant 0 : i32
      %scan3A_53 = arith.constant 0 : i32
      %scan3A_54 = arith.constant 8 : i32
      %scan3A_55 = arith.addi %scan3A_53, %scan3A_54 : i32
      %scan3A_56 = arith.constant 1 : i32
      %scan3A_57 = scf.for %scan3A_59 = %scan3A_53 to %scan3A_55 step %scan3A_56 iter_args(%scan3A_60 = %scan3A_52) -> (i32)  : i32 {
        %broadcast_in_dim3A = arith.constant 0.000000e+00 : f32
        %broadcast_in_dim3A_61 = vector.broadcast %broadcast_in_dim3A : f32 to vector<16xf32>
        %mul3A_62 = arith.constant 16 : i32
        %mul3A_63 = arith.muli %scan3A_59, %mul3A_62 : i32
        %swap3A = arith.index_cast %scan3A_50 : i32 to index
        %swap3A_64 = arith.index_cast %mul3A_63 : i32 to index
        %swap3A_65 = tpu.vector_load %arg11[%swap3A, %swap3A_64] {strides = array<i32>} : memref<128x128xf32, #tpu.memory_space<vmem>>, vector<1x16xf32>,
        %swap3A_66 = vector.shape_cast %swap3A_65 : vector<1x16xf32> to vector<16xf32>
        %swap3A_67 = vector.shape_cast %broadcast_in_dim3A_61 : vector<16xf32> to vector<1x16xf32>
        tpu.vector_store %arg11[%swap3A, %swap3A_64], %swap3A_67 {strides = array<i32>} : memref<128x128xf32, #tpu.memory_space<vmem>>, vector<1x16xf32>,
        %scan3A_68 = arith.constant 0 : i32
        scf.yield %scan3A_68 : i32
      }
      %scan3A_58 = arith.constant 8 : i32
      scf.yield %scan3A_57 : i32
    }
    %scan3A_5 = arith.constant 128 : i32
    %scan3A_6 = arith.constant 0 : i32
    %scan3A_7 = arith.constant 0 : i32
    %scan3A_8 = arith.constant 80 : i32
    %scan3A_9 = arith.addi %scan3A_7, %scan3A_8 : i32
    %scan3A_10 = arith.constant 1 : i32
    %scan3A_11 = scf.for %scan3A_50 = %scan3A_7 to %scan3A_9 step %scan3A_10 iter_args(%scan3A_51 = %scan3A_6) -> (i32)  : i32 {
      %broadcast_in_dim3A = arith.constant 1.000000e+00 : f32
      %broadcast_in_dim3A_52 = vector.broadcast %broadcast_in_dim3A : f32 to vector<16xf32>
      %swap3A = arith.index_cast %scan3A_50 : i32 to index
      %swap3A_53 = arith.constant 0 : index
      %swap3A_54 = tpu.vector_load %arg10[%swap3A, %swap3A_53] {strides = array<i32>} : memref<80x16xf32, #tpu.memory_space<vmem>>, vector<1x16xf32>,
      %swap3A_55 = vector.shape_cast %swap3A_54 : vector<1x16xf32> to vector<16xf32>
      %swap3A_56 = vector.shape_cast %broadcast_in_dim3A_52 : vector<16xf32> to vector<1x16xf32>
      tpu.vector_store %arg10[%swap3A, %swap3A_53], %swap3A_56 {strides = array<i32>} : memref<80x16xf32, #tpu.memory_space<vmem>>, vector<1x16xf32>,
      %scan3A_57 = arith.constant 0 : i32
      scf.yield %scan3A_57 : i32
    }
    %scan3A_12 = arith.constant 80 : i32
    %scan3A_13 = arith.constant 0 : i32
    %scan3A_14 = arith.constant 0 : i32
    %scan3A_15 = arith.constant 640 : i32
    %scan3A_16 = arith.addi %scan3A_14, %scan3A_15 : i32
    %scan3A_17 = arith.constant 1 : i32
    %scan3A_18 = scf.for %scan3A_50 = %scan3A_14 to %scan3A_16 step %scan3A_17 iter_args(%scan3A_51 = %scan3A_13) -> (i32)  : i32 {
      %broadcast_in_dim3A = arith.constant 0.000000e+00 : f32
      %broadcast_in_dim3A_52 = vector.broadcast %broadcast_in_dim3A : f32 to vector<16xf32>
      %swap3A = arith.index_cast %scan3A_50 : i32 to index
      %swap3A_53 = arith.constant 0 : index
      %swap3A_54 = tpu.vector_load %arg12[%swap3A, %swap3A_53] {strides = array<i32>} : memref<640x16xf32, #tpu.memory_space<vmem>>, vector<1x16xf32>,
      %swap3A_55 = vector.shape_cast %swap3A_54 : vector<1x16xf32> to vector<16xf32>
      %swap3A_56 = vector.shape_cast %broadcast_in_dim3A_52 : vector<16xf32> to vector<1x16xf32>
      tpu.vector_store %arg12[%swap3A, %swap3A_53], %swap3A_56 {strides = array<i32>} : memref<640x16xf32, #tpu.memory_space<vmem>>, vector<1x16xf32>,
      %scan3A_57 = arith.constant 0 : i32
      scf.yield %scan3A_57 : i32
    }
    %scan3A_19 = arith.constant 640 : i32
    %mul3A = arith.constant 640 : i32
    %mul3A_20 = arith.muli %arg1, %mul3A : i32
    %add3A = arith.constant 0 : i32
    %add3A_21 = arith.addi %mul3A_20, %add3A : i32
    "tpu.region"() ({
      %run_scoped3A = tpu.sem_alloc : memref<!tpu.dma_semaphore, #tpu.memory_space<semaphore_mem>>
      %dma_start3A = arith.constant 0 : i32
      %dma_start3A_50 = tpu.memref_slice %arg6[%add3A_21, %dma_start3A] : memref<10240x128xf32, #tpu.memory_space<vmem_shared>> -> memref<128x128xf32, #tpu.memory_space<vmem_shared>>
      %dma_start3A_51 = arith.constant 0 : i32
      %dma_start3A_52 = tpu.memref_slice %arg6[%add3A_21, %dma_start3A_51] : memref<10240x128xf32, #tpu.memory_space<vmem_shared>> -> memref<128x128xf32, #tpu.memory_space<vmem_shared>>
      tpu.enqueue_dma source(%arg11 : memref<128x128xf32, #tpu.memory_space<vmem>>) target(%dma_start3A_52 : memref<128x128xf32, #tpu.memory_space<vmem_shared>>) target_semaphore(%run_scoped3A : memref<!tpu.dma_semaphore, #tpu.memory_space<semaphore_mem>>)
      %dma_wait3A = arith.constant 0 : i32
      %dma_wait3A_53 = tpu.memref_slice %arg6[%add3A_21, %dma_wait3A] : memref<10240x128xf32, #tpu.memory_space<vmem_shared>> -> memref<128x128xf32, #tpu.memory_space<vmem_shared>>
      %dma_wait3A_54 = arith.constant 0 : i32
      %dma_wait3A_55 = tpu.memref_slice %arg6[%add3A_21, %dma_wait3A_54] : memref<10240x128xf32, #tpu.memory_space<vmem_shared>> -> memref<128x128xf32, #tpu.memory_space<vmem_shared>>
      tpu.wait_dma2 semaphore(%run_scoped3A : memref<!tpu.dma_semaphore, #tpu.memory_space<semaphore_mem>>) src(%arg11 : memref<128x128xf32, #tpu.memory_space<vmem>>) dst(%dma_wait3A_55 : memref<128x128xf32, #tpu.memory_space<vmem_shared>>)
      tpu.yield
    }) : () -> ()
    %add3A_22 = arith.constant 128 : i32
    %add3A_23 = arith.addi %mul3A_20, %add3A_22 : i32
    "tpu.region"() ({
      %run_scoped3A = tpu.sem_alloc : memref<!tpu.dma_semaphore, #tpu.memory_space<semaphore_mem>>
      %dma_start3A = arith.constant 0 : i32
      %dma_start3A_50 = tpu.memref_slice %arg6[%add3A_23, %dma_start3A] : memref<10240x128xf32, #tpu.memory_space<vmem_shared>> -> memref<128x128xf32, #tpu.memory_space<vmem_shared>>
      %dma_start3A_51 = arith.constant 0 : i32
      %dma_start3A_52 = tpu.memref_slice %arg6[%add3A_23, %dma_start3A_51] : memref<10240x128xf32, #tpu.memory_space<vmem_shared>> -> memref<128x128xf32, #tpu.memory_space<vmem_shared>>
      tpu.enqueue_dma source(%arg11 : memref<128x128xf32, #tpu.memory_space<vmem>>) target(%dma_start3A_52 : memref<128x128xf32, #tpu.memory_space<vmem_shared>>) target_semaphore(%run_scoped3A : memref<!tpu.dma_semaphore, #tpu.memory_space<semaphore_mem>>)
      %dma_wait3A = arith.constant 0 : i32
      %dma_wait3A_53 = tpu.memref_slice %arg6[%add3A_23, %dma_wait3A] : memref<10240x128xf32, #tpu.memory_space<vmem_shared>> -> memref<128x128xf32, #tpu.memory_space<vmem_shared>>
      %dma_wait3A_54 = arith.constant 0 : i32
      %dma_wait3A_55 = tpu.memref_slice %arg6[%add3A_23, %dma_wait3A_54] : memref<10240x128xf32, #tpu.memory_space<vmem_shared>> -> memref<128x128xf32, #tpu.memory_space<vmem_shared>>
      tpu.wait_dma2 semaphore(%run_scoped3A : memref<!tpu.dma_semaphore, #tpu.memory_space<semaphore_mem>>) src(%arg11 : memref<128x128xf32, #tpu.memory_space<vmem>>) dst(%dma_wait3A_55 : memref<128x128xf32, #tpu.memory_space<vmem_shared>>)
      tpu.yield
    }) : () -> ()
    %add3A_24 = arith.constant 256 : i32
    %add3A_25 = arith.addi %mul3A_20, %add3A_24 : i32
    "tpu.region"() ({
      %run_scoped3A = tpu.sem_alloc : memref<!tpu.dma_semaphore, #tpu.memory_space<semaphore_mem>>
      %dma_start3A = arith.constant 0 : i32
      %dma_start3A_50 = tpu.memref_slice %arg6[%add3A_25, %dma_start3A] : memref<10240x128xf32, #tpu.memory_space<vmem_shared>> -> memref<128x128xf32, #tpu.memory_space<vmem_shared>>
      %dma_start3A_51 = arith.constant 0 : i32
      %dma_start3A_52 = tpu.memref_slice %arg6[%add3A_25, %dma_start3A_51] : memref<10240x128xf32, #tpu.memory_space<vmem_shared>> -> memref<128x128xf32, #tpu.memory_space<vmem_shared>>
      tpu.enqueue_dma source(%arg11 : memref<128x128xf32, #tpu.memory_space<vmem>>) target(%dma_start3A_52 : memref<128x128xf32, #tpu.memory_space<vmem_shared>>) target_semaphore(%run_scoped3A : memref<!tpu.dma_semaphore, #tpu.memory_space<semaphore_mem>>)
      %dma_wait3A = arith.constant 0 : i32
      %dma_wait3A_53 = tpu.memref_slice %arg6[%add3A_25, %dma_wait3A] : memref<10240x128xf32, #tpu.memory_space<vmem_shared>> -> memref<128x128xf32, #tpu.memory_space<vmem_shared>>
      %dma_wait3A_54 = arith.constant 0 : i32
      %dma_wait3A_55 = tpu.memref_slice %arg6[%add3A_25, %dma_wait3A_54] : memref<10240x128xf32, #tpu.memory_space<vmem_shared>> -> memref<128x128xf32, #tpu.memory_space<vmem_shared>>
      tpu.wait_dma2 semaphore(%run_scoped3A : memref<!tpu.dma_semaphore, #tpu.memory_space<semaphore_mem>>) src(%arg11 : memref<128x128xf32, #tpu.memory_space<vmem>>) dst(%dma_wait3A_55 : memref<128x128xf32, #tpu.memory_space<vmem_shared>>)
      tpu.yield
    }) : () -> ()
    %add3A_26 = arith.constant 384 : i32
    %add3A_27 = arith.addi %mul3A_20, %add3A_26 : i32
    "tpu.region"() ({
      %run_scoped3A = tpu.sem_alloc : memref<!tpu.dma_semaphore, #tpu.memory_space<semaphore_mem>>
      %dma_start3A = arith.constant 0 : i32
      %dma_start3A_50 = tpu.memref_slice %arg6[%add3A_27, %dma_start3A] : memref<10240x128xf32, #tpu.memory_space<vmem_shared>> -> memref<128x128xf32, #tpu.memory_space<vmem_shared>>
      %dma_start3A_51 = arith.constant 0 : i32
      %dma_start3A_52 = tpu.memref_slice %arg6[%add3A_27, %dma_start3A_51] : memref<10240x128xf32, #tpu.memory_space<vmem_shared>> -> memref<128x128xf32, #tpu.memory_space<vmem_shared>>
      tpu.enqueue_dma source(%arg11 : memref<128x128xf32, #tpu.memory_space<vmem>>) target(%dma_start3A_52 : memref<128x128xf32, #tpu.memory_space<vmem_shared>>) target_semaphore(%run_scoped3A : memref<!tpu.dma_semaphore, #tpu.memory_space<semaphore_mem>>)
      %dma_wait3A = arith.constant 0 : i32
      %dma_wait3A_53 = tpu.memref_slice %arg6[%add3A_27, %dma_wait3A] : memref<10240x128xf32, #tpu.memory_space<vmem_shared>> -> memref<128x128xf32, #tpu.memory_space<vmem_shared>>
      %dma_wait3A_54 = arith.constant 0 : i32
      %dma_wait3A_55 = tpu.memref_slice %arg6[%add3A_27, %dma_wait3A_54] : memref<10240x128xf32, #tpu.memory_space<vmem_shared>> -> memref<128x128xf32, #tpu.memory_space<vmem_shared>>
      tpu.wait_dma2 semaphore(%run_scoped3A : memref<!tpu.dma_semaphore, #tpu.memory_space<semaphore_mem>>) src(%arg11 : memref<128x128xf32, #tpu.memory_space<vmem>>) dst(%dma_wait3A_55 : memref<128x128xf32, #tpu.memory_space<vmem_shared>>)
      tpu.yield
    }) : () -> ()
    %add3A_28 = arith.constant 512 : i32
    %add3A_29 = arith.addi %mul3A_20, %add3A_28 : i32
    "tpu.region"() ({
      %run_scoped3A = tpu.sem_alloc : memref<!tpu.dma_semaphore, #tpu.memory_space<semaphore_mem>>
      %dma_start3A = arith.constant 0 : i32
      %dma_start3A_50 = tpu.memref_slice %arg6[%add3A_29, %dma_start3A] : memref<10240x128xf32, #tpu.memory_space<vmem_shared>> -> memref<128x128xf32, #tpu.memory_space<vmem_shared>>
      %dma_start3A_51 = arith.constant 0 : i32
      %dma_start3A_52 = tpu.memref_slice %arg6[%add3A_29, %dma_start3A_51] : memref<10240x128xf32, #tpu.memory_space<vmem_shared>> -> memref<128x128xf32, #tpu.memory_space<vmem_shared>>
      tpu.enqueue_dma source(%arg11 : memref<128x128xf32, #tpu.memory_space<vmem>>) target(%dma_start3A_52 : memref<128x128xf32, #tpu.memory_space<vmem_shared>>) target_semaphore(%run_scoped3A : memref<!tpu.dma_semaphore, #tpu.memory_space<semaphore_mem>>)
      %dma_wait3A = arith.constant 0 : i32
      %dma_wait3A_53 = tpu.memref_slice %arg6[%add3A_29, %dma_wait3A] : memref<10240x128xf32, #tpu.memory_space<vmem_shared>> -> memref<128x128xf32, #tpu.memory_space<vmem_shared>>
      %dma_wait3A_54 = arith.constant 0 : i32
      %dma_wait3A_55 = tpu.memref_slice %arg6[%add3A_29, %dma_wait3A_54] : memref<10240x128xf32, #tpu.memory_space<vmem_shared>> -> memref<128x128xf32, #tpu.memory_space<vmem_shared>>
      tpu.wait_dma2 semaphore(%run_scoped3A : memref<!tpu.dma_semaphore, #tpu.memory_space<semaphore_mem>>) src(%arg11 : memref<128x128xf32, #tpu.memory_space<vmem>>) dst(%dma_wait3A_55 : memref<128x128xf32, #tpu.memory_space<vmem_shared>>)
      tpu.yield
    }) : () -> ()
    "tpu.region"() ({
      %run_scoped3A = tpu.sem_alloc : memref<!tpu.dma_semaphore, #tpu.memory_space<semaphore_mem>>
      %dma_start3A = arith.constant 0 : i32
      %dma_start3A_50 = tpu.memref_slice %arg7[%mul3A_20, %dma_start3A] : memref<10240x16xf32, #tpu.memory_space<vmem_shared>> -> memref<640x16xf32, #tpu.memory_space<vmem_shared>>
      %dma_start3A_51 = arith.constant 0 : i32
      %dma_start3A_52 = tpu.memref_slice %arg7[%mul3A_20, %dma_start3A_51] : memref<10240x16xf32, #tpu.memory_space<vmem_shared>> -> memref<640x16xf32, #tpu.memory_space<vmem_shared>>
      tpu.enqueue_dma source(%arg12 : memref<640x16xf32, #tpu.memory_space<vmem>>) target(%dma_start3A_52 : memref<640x16xf32, #tpu.memory_space<vmem_shared>>) target_semaphore(%run_scoped3A : memref<!tpu.dma_semaphore, #tpu.memory_space<semaphore_mem>>)
      %dma_wait3A = arith.constant 0 : i32
      %dma_wait3A_53 = tpu.memref_slice %arg7[%mul3A_20, %dma_wait3A] : memref<10240x16xf32, #tpu.memory_space<vmem_shared>> -> memref<640x16xf32, #tpu.memory_space<vmem_shared>>
      %dma_wait3A_54 = arith.constant 0 : i32
      %dma_wait3A_55 = tpu.memref_slice %arg7[%mul3A_20, %dma_wait3A_54] : memref<10240x16xf32, #tpu.memory_space<vmem_shared>> -> memref<640x16xf32, #tpu.memory_space<vmem_shared>>
      tpu.wait_dma2 semaphore(%run_scoped3A : memref<!tpu.dma_semaphore, #tpu.memory_space<semaphore_mem>>) src(%arg12 : memref<640x16xf32, #tpu.memory_space<vmem>>) dst(%dma_wait3A_55 : memref<640x16xf32, #tpu.memory_space<vmem_shared>>)
      tpu.yield
    }) : () -> ()
    %barrier3A = arith.constant 0 : index
    tpu.barrier barrier_id(%barrier3A)
    %scan3A_30 = arith.constant 0 : i32
    %scan3A_31 = arith.constant 0 : i32
    %scan3A_32 = arith.constant 125 : i32
    %scan3A_33 = arith.addi %scan3A_31, %scan3A_32 : i32
    %scan3A_34 = arith.constant 1 : i32
    %scan3A_35 = scf.for %scan3A_50 = %scan3A_31 to %scan3A_33 step %scan3A_34 iter_args(%scan3A_51 = %scan3A_30) -> (i32)  : i32 {
      %mul3A_52 = arith.constant 10000 : i32
      %mul3A_53 = arith.muli %arg1, %mul3A_52 : i32
      %mul3A_54 = arith.constant 80 : i32
      %mul3A_55 = arith.muli %scan3A_50, %mul3A_54 : i32
      %add3A_56 = arith.addi %mul3A_53, %mul3A_55 : i32
      "tpu.region"() ({
        %run_scoped3A = tpu.sem_alloc : memref<!tpu.dma_semaphore, #tpu.memory_space<semaphore_mem>>
        %dma_start3A = tpu.memref_slice %arg3[%add3A_56] : memref<160000xi32, #tpu.memory_space<hbm>> -> memref<80xi32, #tpu.memory_space<hbm>>
        %dma_start3A_63 = tpu.memref_slice %arg3[%add3A_56] : memref<160000xi32, #tpu.memory_space<hbm>> -> memref<80xi32, #tpu.memory_space<hbm>>
        tpu.enqueue_dma source(%dma_start3A_63 : memref<80xi32, #tpu.memory_space<hbm>>) target(%arg9 : memref<80xi32, #tpu.memory_space<vmem>>) target_semaphore(%run_scoped3A : memref<!tpu.dma_semaphore, #tpu.memory_space<semaphore_mem>>)
        %dma_wait3A = tpu.memref_slice %arg3[%add3A_56] : memref<160000xi32, #tpu.memory_space<hbm>> -> memref<80xi32, #tpu.memory_space<hbm>>
        %dma_wait3A_64 = tpu.memref_slice %arg3[%add3A_56] : memref<160000xi32, #tpu.memory_space<hbm>> -> memref<80xi32, #tpu.memory_space<hbm>>
        tpu.wait_dma2 semaphore(%run_scoped3A : memref<!tpu.dma_semaphore, #tpu.memory_space<semaphore_mem>>) src(%dma_wait3A_64 : memref<80xi32, #tpu.memory_space<hbm>>) dst(%arg9 : memref<80xi32, #tpu.memory_space<vmem>>)
        tpu.yield
      }) : () -> ()
      "tpu.region"() ({
        %run_scoped3A = tpu.sem_alloc : memref<!tpu.dma_semaphore, #tpu.memory_space<semaphore_mem>>
        %dma_start3A = arith.constant 0 : i32
        %dma_start3A_63 = tpu.memref_slice %arg2[%add3A_56, %arg0, %dma_start3A] : memref<160000x2x128xf32, #tpu.memory_space<hbm>> -> memref<80x1x128xf32, #tpu.memory_space<hbm>>
        %dma_start3A_64 = tpu.memref_squeeze %dma_start3A_63 : memref<80x1x128xf32, #tpu.memory_space<hbm>> -> memref<80x128xf32, #tpu.memory_space<hbm>>
        %dma_start3A_65 = arith.constant 0 : i32
        %dma_start3A_66 = tpu.memref_slice %arg2[%add3A_56, %arg0, %dma_start3A_65] : memref<160000x2x128xf32, #tpu.memory_space<hbm>> -> memref<80x1x128xf32, #tpu.memory_space<hbm>>
        %dma_start3A_67 = tpu.memref_squeeze %dma_start3A_66 : memref<80x1x128xf32, #tpu.memory_space<hbm>> -> memref<80x128xf32, #tpu.memory_space<hbm>>
        tpu.enqueue_dma source(%dma_start3A_67 : memref<80x128xf32, #tpu.memory_space<hbm>>) target(%arg8 : memref<80x128xf32, #tpu.memory_space<vmem>>) target_semaphore(%run_scoped3A : memref<!tpu.dma_semaphore, #tpu.memory_space<semaphore_mem>>)
        %dma_wait3A = arith.constant 0 : i32
        %dma_wait3A_68 = tpu.memref_slice %arg2[%add3A_56, %arg0, %dma_wait3A] : memref<160000x2x128xf32, #tpu.memory_space<hbm>> -> memref<80x1x128xf32, #tpu.memory_space<hbm>>
        %dma_wait3A_69 = tpu.memref_squeeze %dma_wait3A_68 : memref<80x1x128xf32, #tpu.memory_space<hbm>> -> memref<80x128xf32, #tpu.memory_space<hbm>>
        %dma_wait3A_70 = arith.constant 0 : i32
        %dma_wait3A_71 = tpu.memref_slice %arg2[%add3A_56, %arg0, %dma_wait3A_70] : memref<160000x2x128xf32, #tpu.memory_space<hbm>> -> memref<80x1x128xf32, #tpu.memory_space<hbm>>
        %dma_wait3A_72 = tpu.memref_squeeze %dma_wait3A_71 : memref<80x1x128xf32, #tpu.memory_space<hbm>> -> memref<80x128xf32, #tpu.memory_space<hbm>>
        tpu.wait_dma2 semaphore(%run_scoped3A : memref<!tpu.dma_semaphore, #tpu.memory_space<semaphore_mem>>) src(%dma_wait3A_72 : memref<80x128xf32, #tpu.memory_space<hbm>>) dst(%arg8 : memref<80x128xf32, #tpu.memory_space<vmem>>)
        tpu.yield
      }) : () -> ()
      "tpu.region"() ({
        %run_scoped3A = tpu.sem_alloc : memref<!tpu.dma_semaphore, #tpu.memory_space<semaphore_mem>>
        %dma_start3A = arith.constant 0 : i32
        %dma_start3A_63 = arith.constant 0 : i32
        %dma_start3A_64 = tpu.memref_slice %arg6[%dma_start3A, %dma_start3A_63] : memref<10240x128xf32, #tpu.memory_space<vmem_shared>> -> memref<10240x128xf32, #tpu.memory_space<vmem_shared>>
        tpu.enqueue_indirect_dma source(%arg8 : memref<80x128xf32, #tpu.memory_space<vmem>>) target(%dma_start3A_64 : memref<10240x128xf32, #tpu.memory_space<vmem_shared>>) offsets(%arg9 : memref<80xi32, #tpu.memory_space<vmem>>) semaphore(%run_scoped3A : memref<!tpu.dma_semaphore, #tpu.memory_space<semaphore_mem>>) {add = true}
        %dma_wait3A = arith.constant 0 : i32
        %dma_wait3A_65 = arith.constant 0 : i32
        %dma_wait3A_66 = tpu.memref_slice %arg6[%dma_wait3A, %dma_wait3A_65] : memref<10240x128xf32, #tpu.memory_space<vmem_shared>> -> memref<10240x128xf32, #tpu.memory_space<vmem_shared>>
        tpu.wait_indirect_dma semaphore(%run_scoped3A : memref<!tpu.dma_semaphore, #tpu.memory_space<semaphore_mem>>) src(%arg8 : memref<80x128xf32, #tpu.memory_space<vmem>>) dst(%dma_wait3A_66 : memref<10240x128xf32, #tpu.memory_space<vmem_shared>>)
        tpu.yield
      }) : () -> ()
      %eq3A_57 = arith.constant 0 : i32
      %eq3A_58 = arith.cmpi eq, %arg0, %eq3A_57 : i32
      %convert_element_type3A_59 = arith.extui %eq3A_58 : i1 to i32
      %cond3A_60 = arith.constant 0 : i32
      %cond3A_61 = arith.cmpi ne, %convert_element_type3A_59, %cond3A_60 : i32
      scf.if %cond3A_61 {
        "tpu.region"() ({
          %run_scoped3A = tpu.sem_alloc : memref<!tpu.dma_semaphore, #tpu.memory_space<semaphore_mem>>
          %dma_start3A = arith.constant 0 : i32
          %dma_start3A_63 = arith.constant 0 : i32
          %dma_start3A_64 = tpu.memref_slice %arg7[%dma_start3A, %dma_start3A_63] : memref<10240x16xf32, #tpu.memory_space<vmem_shared>> -> memref<10240x16xf32, #tpu.memory_space<vmem_shared>>
          tpu.enqueue_indirect_dma source(%arg10 : memref<80x16xf32, #tpu.memory_space<vmem>>) target(%dma_start3A_64 : memref<10240x16xf32, #tpu.memory_space<vmem_shared>>) offsets(%arg9 : memref<80xi32, #tpu.memory_space<vmem>>) semaphore(%run_scoped3A : memref<!tpu.dma_semaphore, #tpu.memory_space<semaphore_mem>>) {add = true}
          %dma_wait3A = arith.constant 0 : i32
          %dma_wait3A_65 = arith.constant 0 : i32
          %dma_wait3A_66 = tpu.memref_slice %arg7[%dma_wait3A, %dma_wait3A_65] : memref<10240x16xf32, #tpu.memory_space<vmem_shared>> -> memref<10240x16xf32, #tpu.memory_space<vmem_shared>>
          tpu.wait_indirect_dma semaphore(%run_scoped3A : memref<!tpu.dma_semaphore, #tpu.memory_space<semaphore_mem>>) src(%arg10 : memref<80x16xf32, #tpu.memory_space<vmem>>) dst(%dma_wait3A_66 : memref<10240x16xf32, #tpu.memory_space<vmem_shared>>)
          tpu.yield
        }) : () -> ()
      } else {
      }
      %scan3A_62 = arith.constant 0 : i32
      scf.yield %scan3A_62 : i32
    }
    %scan3A_36 = arith.constant 125 : i32
    %barrier3A_37 = arith.constant 0 : index
    tpu.barrier barrier_id(%barrier3A_37)
    %add3A_38 = arith.constant 0 : i32
    %add3A_39 = arith.addi %mul3A_20, %add3A_38 : i32
    "tpu.region"() ({
      %run_scoped3A = tpu.sem_alloc : memref<!tpu.dma_semaphore, #tpu.memory_space<semaphore_mem>>
      %dma_start3A = arith.constant 0 : i32
      %dma_start3A_50 = tpu.memref_slice %arg6[%add3A_39, %dma_start3A] : memref<10240x128xf32, #tpu.memory_space<vmem_shared>> -> memref<128x128xf32, #tpu.memory_space<vmem_shared>>
      %dma_start3A_51 = arith.constant 0 : i32
      %dma_start3A_52 = tpu.memref_slice %arg6[%add3A_39, %dma_start3A_51] : memref<10240x128xf32, #tpu.memory_space<vmem_shared>> -> memref<128x128xf32, #tpu.memory_space<vmem_shared>>
      tpu.enqueue_dma source(%dma_start3A_52 : memref<128x128xf32, #tpu.memory_space<vmem_shared>>) target(%arg11 : memref<128x128xf32, #tpu.memory_space<vmem>>) target_semaphore(%run_scoped3A : memref<!tpu.dma_semaphore, #tpu.memory_space<semaphore_mem>>)
      %dma_wait3A = arith.constant 0 : i32
      %dma_wait3A_53 = tpu.memref_slice %arg6[%add3A_39, %dma_wait3A] : memref<10240x128xf32, #tpu.memory_space<vmem_shared>> -> memref<128x128xf32, #tpu.memory_space<vmem_shared>>
      %dma_wait3A_54 = arith.constant 0 : i32
      %dma_wait3A_55 = tpu.memref_slice %arg6[%add3A_39, %dma_wait3A_54] : memref<10240x128xf32, #tpu.memory_space<vmem_shared>> -> memref<128x128xf32, #tpu.memory_space<vmem_shared>>
      tpu.wait_dma2 semaphore(%run_scoped3A : memref<!tpu.dma_semaphore, #tpu.memory_space<semaphore_mem>>) src(%dma_wait3A_55 : memref<128x128xf32, #tpu.memory_space<vmem_shared>>) dst(%arg11 : memref<128x128xf32, #tpu.memory_space<vmem>>)
      tpu.yield
    }) : () -> ()
    "tpu.region"() ({
      %run_scoped3A = tpu.sem_alloc : memref<!tpu.dma_semaphore, #tpu.memory_space<semaphore_mem>>
      %dma_start3A = arith.constant 0 : i32
      %dma_start3A_50 = tpu.memref_slice %arg4[%add3A_39, %arg0, %dma_start3A] : memref<10240x2x128xf32, #tpu.memory_space<hbm>> -> memref<128x1x128xf32, #tpu.memory_space<hbm>>
      %dma_start3A_51 = tpu.memref_squeeze %dma_start3A_50 : memref<128x1x128xf32, #tpu.memory_space<hbm>> -> memref<128x128xf32, #tpu.memory_space<hbm>>
      %dma_start3A_52 = arith.constant 0 : i32
      %dma_start3A_53 = tpu.memref_slice %arg4[%add3A_39, %arg0, %dma_start3A_52] : memref<10240x2x128xf32, #tpu.memory_space<hbm>> -> memref<128x1x128xf32, #tpu.memory_space<hbm>>
      %dma_start3A_54 = tpu.memref_squeeze %dma_start3A_53 : memref<128x1x128xf32, #tpu.memory_space<hbm>> -> memref<128x128xf32, #tpu.memory_space<hbm>>
      tpu.enqueue_dma source(%arg11 : memref<128x128xf32, #tpu.memory_space<vmem>>) target(%dma_start3A_54 : memref<128x128xf32, #tpu.memory_space<hbm>>) target_semaphore(%run_scoped3A : memref<!tpu.dma_semaphore, #tpu.memory_space<semaphore_mem>>)
      %dma_wait3A = arith.constant 0 : i32
      %dma_wait3A_55 = tpu.memref_slice %arg4[%add3A_39, %arg0, %dma_wait3A] : memref<10240x2x128xf32, #tpu.memory_space<hbm>> -> memref<128x1x128xf32, #tpu.memory_space<hbm>>
      %dma_wait3A_56 = tpu.memref_squeeze %dma_wait3A_55 : memref<128x1x128xf32, #tpu.memory_space<hbm>> -> memref<128x128xf32, #tpu.memory_space<hbm>>
      %dma_wait3A_57 = arith.constant 0 : i32
      %dma_wait3A_58 = tpu.memref_slice %arg4[%add3A_39, %arg0, %dma_wait3A_57] : memref<10240x2x128xf32, #tpu.memory_space<hbm>> -> memref<128x1x128xf32, #tpu.memory_space<hbm>>
      %dma_wait3A_59 = tpu.memref_squeeze %dma_wait3A_58 : memref<128x1x128xf32, #tpu.memory_space<hbm>> -> memref<128x128xf32, #tpu.memory_space<hbm>>
      tpu.wait_dma2 semaphore(%run_scoped3A : memref<!tpu.dma_semaphore, #tpu.memory_space<semaphore_mem>>) src(%arg11 : memref<128x128xf32, #tpu.memory_space<vmem>>) dst(%dma_wait3A_59 : memref<128x128xf32, #tpu.memory_space<hbm>>)
      tpu.yield
    }) : () -> ()
    %add3A_40 = arith.constant 128 : i32
    %add3A_41 = arith.addi %mul3A_20, %add3A_40 : i32
    "tpu.region"() ({
      %run_scoped3A = tpu.sem_alloc : memref<!tpu.dma_semaphore, #tpu.memory_space<semaphore_mem>>
      %dma_start3A = arith.constant 0 : i32
      %dma_start3A_50 = tpu.memref_slice %arg6[%add3A_41, %dma_start3A] : memref<10240x128xf32, #tpu.memory_space<vmem_shared>> -> memref<128x128xf32, #tpu.memory_space<vmem_shared>>
      %dma_start3A_51 = arith.constant 0 : i32
      %dma_start3A_52 = tpu.memref_slice %arg6[%add3A_41, %dma_start3A_51] : memref<10240x128xf32, #tpu.memory_space<vmem_shared>> -> memref<128x128xf32, #tpu.memory_space<vmem_shared>>
      tpu.enqueue_dma source(%dma_start3A_52 : memref<128x128xf32, #tpu.memory_space<vmem_shared>>) target(%arg11 : memref<128x128xf32, #tpu.memory_space<vmem>>) target_semaphore(%run_scoped3A : memref<!tpu.dma_semaphore, #tpu.memory_space<semaphore_mem>>)
      %dma_wait3A = arith.constant 0 : i32
      %dma_wait3A_53 = tpu.memref_slice %arg6[%add3A_41, %dma_wait3A] : memref<10240x128xf32, #tpu.memory_space<vmem_shared>> -> memref<128x128xf32, #tpu.memory_space<vmem_shared>>
      %dma_wait3A_54 = arith.constant 0 : i32
      %dma_wait3A_55 = tpu.memref_slice %arg6[%add3A_41, %dma_wait3A_54] : memref<10240x128xf32, #tpu.memory_space<vmem_shared>> -> memref<128x128xf32, #tpu.memory_space<vmem_shared>>
      tpu.wait_dma2 semaphore(%run_scoped3A : memref<!tpu.dma_semaphore, #tpu.memory_space<semaphore_mem>>) src(%dma_wait3A_55 : memref<128x128xf32, #tpu.memory_space<vmem_shared>>) dst(%arg11 : memref<128x128xf32, #tpu.memory_space<vmem>>)
      tpu.yield
    }) : () -> ()
    "tpu.region"() ({
      %run_scoped3A = tpu.sem_alloc : memref<!tpu.dma_semaphore, #tpu.memory_space<semaphore_mem>>
      %dma_start3A = arith.constant 0 : i32
      %dma_start3A_50 = tpu.memref_slice %arg4[%add3A_41, %arg0, %dma_start3A] : memref<10240x2x128xf32, #tpu.memory_space<hbm>> -> memref<128x1x128xf32, #tpu.memory_space<hbm>>
      %dma_start3A_51 = tpu.memref_squeeze %dma_start3A_50 : memref<128x1x128xf32, #tpu.memory_space<hbm>> -> memref<128x128xf32, #tpu.memory_space<hbm>>
      %dma_start3A_52 = arith.constant 0 : i32
      %dma_start3A_53 = tpu.memref_slice %arg4[%add3A_41, %arg0, %dma_start3A_52] : memref<10240x2x128xf32, #tpu.memory_space<hbm>> -> memref<128x1x128xf32, #tpu.memory_space<hbm>>
      %dma_start3A_54 = tpu.memref_squeeze %dma_start3A_53 : memref<128x1x128xf32, #tpu.memory_space<hbm>> -> memref<128x128xf32, #tpu.memory_space<hbm>>
      tpu.enqueue_dma source(%arg11 : memref<128x128xf32, #tpu.memory_space<vmem>>) target(%dma_start3A_54 : memref<128x128xf32, #tpu.memory_space<hbm>>) target_semaphore(%run_scoped3A : memref<!tpu.dma_semaphore, #tpu.memory_space<semaphore_mem>>)
      %dma_wait3A = arith.constant 0 : i32
      %dma_wait3A_55 = tpu.memref_slice %arg4[%add3A_41, %arg0, %dma_wait3A] : memref<10240x2x128xf32, #tpu.memory_space<hbm>> -> memref<128x1x128xf32, #tpu.memory_space<hbm>>
      %dma_wait3A_56 = tpu.memref_squeeze %dma_wait3A_55 : memref<128x1x128xf32, #tpu.memory_space<hbm>> -> memref<128x128xf32, #tpu.memory_space<hbm>>
      %dma_wait3A_57 = arith.constant 0 : i32
      %dma_wait3A_58 = tpu.memref_slice %arg4[%add3A_41, %arg0, %dma_wait3A_57] : memref<10240x2x128xf32, #tpu.memory_space<hbm>> -> memref<128x1x128xf32, #tpu.memory_space<hbm>>
      %dma_wait3A_59 = tpu.memref_squeeze %dma_wait3A_58 : memref<128x1x128xf32, #tpu.memory_space<hbm>> -> memref<128x128xf32, #tpu.memory_space<hbm>>
      tpu.wait_dma2 semaphore(%run_scoped3A : memref<!tpu.dma_semaphore, #tpu.memory_space<semaphore_mem>>) src(%arg11 : memref<128x128xf32, #tpu.memory_space<vmem>>) dst(%dma_wait3A_59 : memref<128x128xf32, #tpu.memory_space<hbm>>)
      tpu.yield
    }) : () -> ()
    %add3A_42 = arith.constant 256 : i32
    %add3A_43 = arith.addi %mul3A_20, %add3A_42 : i32
    "tpu.region"() ({
      %run_scoped3A = tpu.sem_alloc : memref<!tpu.dma_semaphore, #tpu.memory_space<semaphore_mem>>
      %dma_start3A = arith.constant 0 : i32
      %dma_start3A_50 = tpu.memref_slice %arg6[%add3A_43, %dma_start3A] : memref<10240x128xf32, #tpu.memory_space<vmem_shared>> -> memref<128x128xf32, #tpu.memory_space<vmem_shared>>
      %dma_start3A_51 = arith.constant 0 : i32
      %dma_start3A_52 = tpu.memref_slice %arg6[%add3A_43, %dma_start3A_51] : memref<10240x128xf32, #tpu.memory_space<vmem_shared>> -> memref<128x128xf32, #tpu.memory_space<vmem_shared>>
      tpu.enqueue_dma source(%dma_start3A_52 : memref<128x128xf32, #tpu.memory_space<vmem_shared>>) target(%arg11 : memref<128x128xf32, #tpu.memory_space<vmem>>) target_semaphore(%run_scoped3A : memref<!tpu.dma_semaphore, #tpu.memory_space<semaphore_mem>>)
      %dma_wait3A = arith.constant 0 : i32
      %dma_wait3A_53 = tpu.memref_slice %arg6[%add3A_43, %dma_wait3A] : memref<10240x128xf32, #tpu.memory_space<vmem_shared>> -> memref<128x128xf32, #tpu.memory_space<vmem_shared>>
      %dma_wait3A_54 = arith.constant 0 : i32
      %dma_wait3A_55 = tpu.memref_slice %arg6[%add3A_43, %dma_wait3A_54] : memref<10240x128xf32, #tpu.memory_space<vmem_shared>> -> memref<128x128xf32, #tpu.memory_space<vmem_shared>>
      tpu.wait_dma2 semaphore(%run_scoped3A : memref<!tpu.dma_semaphore, #tpu.memory_space<semaphore_mem>>) src(%dma_wait3A_55 : memref<128x128xf32, #tpu.memory_space<vmem_shared>>) dst(%arg11 : memref<128x128xf32, #tpu.memory_space<vmem>>)
      tpu.yield
    }) : () -> ()
    "tpu.region"() ({
      %run_scoped3A = tpu.sem_alloc : memref<!tpu.dma_semaphore, #tpu.memory_space<semaphore_mem>>
      %dma_start3A = arith.constant 0 : i32
      %dma_start3A_50 = tpu.memref_slice %arg4[%add3A_43, %arg0, %dma_start3A] : memref<10240x2x128xf32, #tpu.memory_space<hbm>> -> memref<128x1x128xf32, #tpu.memory_space<hbm>>
      %dma_start3A_51 = tpu.memref_squeeze %dma_start3A_50 : memref<128x1x128xf32, #tpu.memory_space<hbm>> -> memref<128x128xf32, #tpu.memory_space<hbm>>
      %dma_start3A_52 = arith.constant 0 : i32
      %dma_start3A_53 = tpu.memref_slice %arg4[%add3A_43, %arg0, %dma_start3A_52] : memref<10240x2x128xf32, #tpu.memory_space<hbm>> -> memref<128x1x128xf32, #tpu.memory_space<hbm>>
      %dma_start3A_54 = tpu.memref_squeeze %dma_start3A_53 : memref<128x1x128xf32, #tpu.memory_space<hbm>> -> memref<128x128xf32, #tpu.memory_space<hbm>>
      tpu.enqueue_dma source(%arg11 : memref<128x128xf32, #tpu.memory_space<vmem>>) target(%dma_start3A_54 : memref<128x128xf32, #tpu.memory_space<hbm>>) target_semaphore(%run_scoped3A : memref<!tpu.dma_semaphore, #tpu.memory_space<semaphore_mem>>)
      %dma_wait3A = arith.constant 0 : i32
      %dma_wait3A_55 = tpu.memref_slice %arg4[%add3A_43, %arg0, %dma_wait3A] : memref<10240x2x128xf32, #tpu.memory_space<hbm>> -> memref<128x1x128xf32, #tpu.memory_space<hbm>>
      %dma_wait3A_56 = tpu.memref_squeeze %dma_wait3A_55 : memref<128x1x128xf32, #tpu.memory_space<hbm>> -> memref<128x128xf32, #tpu.memory_space<hbm>>
      %dma_wait3A_57 = arith.constant 0 : i32
      %dma_wait3A_58 = tpu.memref_slice %arg4[%add3A_43, %arg0, %dma_wait3A_57] : memref<10240x2x128xf32, #tpu.memory_space<hbm>> -> memref<128x1x128xf32, #tpu.memory_space<hbm>>
      %dma_wait3A_59 = tpu.memref_squeeze %dma_wait3A_58 : memref<128x1x128xf32, #tpu.memory_space<hbm>> -> memref<128x128xf32, #tpu.memory_space<hbm>>
      tpu.wait_dma2 semaphore(%run_scoped3A : memref<!tpu.dma_semaphore, #tpu.memory_space<semaphore_mem>>) src(%arg11 : memref<128x128xf32, #tpu.memory_space<vmem>>) dst(%dma_wait3A_59 : memref<128x128xf32, #tpu.memory_space<hbm>>)
      tpu.yield
    }) : () -> ()
    %add3A_44 = arith.constant 384 : i32
    %add3A_45 = arith.addi %mul3A_20, %add3A_44 : i32
    "tpu.region"() ({
      %run_scoped3A = tpu.sem_alloc : memref<!tpu.dma_semaphore, #tpu.memory_space<semaphore_mem>>
      %dma_start3A = arith.constant 0 : i32
      %dma_start3A_50 = tpu.memref_slice %arg6[%add3A_45, %dma_start3A] : memref<10240x128xf32, #tpu.memory_space<vmem_shared>> -> memref<128x128xf32, #tpu.memory_space<vmem_shared>>
      %dma_start3A_51 = arith.constant 0 : i32
      %dma_start3A_52 = tpu.memref_slice %arg6[%add3A_45, %dma_start3A_51] : memref<10240x128xf32, #tpu.memory_space<vmem_shared>> -> memref<128x128xf32, #tpu.memory_space<vmem_shared>>
      tpu.enqueue_dma source(%dma_start3A_52 : memref<128x128xf32, #tpu.memory_space<vmem_shared>>) target(%arg11 : memref<128x128xf32, #tpu.memory_space<vmem>>) target_semaphore(%run_scoped3A : memref<!tpu.dma_semaphore, #tpu.memory_space<semaphore_mem>>)
      %dma_wait3A = arith.constant 0 : i32
      %dma_wait3A_53 = tpu.memref_slice %arg6[%add3A_45, %dma_wait3A] : memref<10240x128xf32, #tpu.memory_space<vmem_shared>> -> memref<128x128xf32, #tpu.memory_space<vmem_shared>>
      %dma_wait3A_54 = arith.constant 0 : i32
      %dma_wait3A_55 = tpu.memref_slice %arg6[%add3A_45, %dma_wait3A_54] : memref<10240x128xf32, #tpu.memory_space<vmem_shared>> -> memref<128x128xf32, #tpu.memory_space<vmem_shared>>
      tpu.wait_dma2 semaphore(%run_scoped3A : memref<!tpu.dma_semaphore, #tpu.memory_space<semaphore_mem>>) src(%dma_wait3A_55 : memref<128x128xf32, #tpu.memory_space<vmem_shared>>) dst(%arg11 : memref<128x128xf32, #tpu.memory_space<vmem>>)
      tpu.yield
    }) : () -> ()
    "tpu.region"() ({
      %run_scoped3A = tpu.sem_alloc : memref<!tpu.dma_semaphore, #tpu.memory_space<semaphore_mem>>
      %dma_start3A = arith.constant 0 : i32
      %dma_start3A_50 = tpu.memref_slice %arg4[%add3A_45, %arg0, %dma_start3A] : memref<10240x2x128xf32, #tpu.memory_space<hbm>> -> memref<128x1x128xf32, #tpu.memory_space<hbm>>
      %dma_start3A_51 = tpu.memref_squeeze %dma_start3A_50 : memref<128x1x128xf32, #tpu.memory_space<hbm>> -> memref<128x128xf32, #tpu.memory_space<hbm>>
      %dma_start3A_52 = arith.constant 0 : i32
      %dma_start3A_53 = tpu.memref_slice %arg4[%add3A_45, %arg0, %dma_start3A_52] : memref<10240x2x128xf32, #tpu.memory_space<hbm>> -> memref<128x1x128xf32, #tpu.memory_space<hbm>>
      %dma_start3A_54 = tpu.memref_squeeze %dma_start3A_53 : memref<128x1x128xf32, #tpu.memory_space<hbm>> -> memref<128x128xf32, #tpu.memory_space<hbm>>
      tpu.enqueue_dma source(%arg11 : memref<128x128xf32, #tpu.memory_space<vmem>>) target(%dma_start3A_54 : memref<128x128xf32, #tpu.memory_space<hbm>>) target_semaphore(%run_scoped3A : memref<!tpu.dma_semaphore, #tpu.memory_space<semaphore_mem>>)
      %dma_wait3A = arith.constant 0 : i32
      %dma_wait3A_55 = tpu.memref_slice %arg4[%add3A_45, %arg0, %dma_wait3A] : memref<10240x2x128xf32, #tpu.memory_space<hbm>> -> memref<128x1x128xf32, #tpu.memory_space<hbm>>
      %dma_wait3A_56 = tpu.memref_squeeze %dma_wait3A_55 : memref<128x1x128xf32, #tpu.memory_space<hbm>> -> memref<128x128xf32, #tpu.memory_space<hbm>>
      %dma_wait3A_57 = arith.constant 0 : i32
      %dma_wait3A_58 = tpu.memref_slice %arg4[%add3A_45, %arg0, %dma_wait3A_57] : memref<10240x2x128xf32, #tpu.memory_space<hbm>> -> memref<128x1x128xf32, #tpu.memory_space<hbm>>
      %dma_wait3A_59 = tpu.memref_squeeze %dma_wait3A_58 : memref<128x1x128xf32, #tpu.memory_space<hbm>> -> memref<128x128xf32, #tpu.memory_space<hbm>>
      tpu.wait_dma2 semaphore(%run_scoped3A : memref<!tpu.dma_semaphore, #tpu.memory_space<semaphore_mem>>) src(%arg11 : memref<128x128xf32, #tpu.memory_space<vmem>>) dst(%dma_wait3A_59 : memref<128x128xf32, #tpu.memory_space<hbm>>)
      tpu.yield
    }) : () -> ()
    %add3A_46 = arith.constant 512 : i32
    %add3A_47 = arith.addi %mul3A_20, %add3A_46 : i32
    "tpu.region"() ({
      %run_scoped3A = tpu.sem_alloc : memref<!tpu.dma_semaphore, #tpu.memory_space<semaphore_mem>>
      %dma_start3A = arith.constant 0 : i32
      %dma_start3A_50 = tpu.memref_slice %arg6[%add3A_47, %dma_start3A] : memref<10240x128xf32, #tpu.memory_space<vmem_shared>> -> memref<128x128xf32, #tpu.memory_space<vmem_shared>>
      %dma_start3A_51 = arith.constant 0 : i32
      %dma_start3A_52 = tpu.memref_slice %arg6[%add3A_47, %dma_start3A_51] : memref<10240x128xf32, #tpu.memory_space<vmem_shared>> -> memref<128x128xf32, #tpu.memory_space<vmem_shared>>
      tpu.enqueue_dma source(%dma_start3A_52 : memref<128x128xf32, #tpu.memory_space<vmem_shared>>) target(%arg11 : memref<128x128xf32, #tpu.memory_space<vmem>>) target_semaphore(%run_scoped3A : memref<!tpu.dma_semaphore, #tpu.memory_space<semaphore_mem>>)
      %dma_wait3A = arith.constant 0 : i32
      %dma_wait3A_53 = tpu.memref_slice %arg6[%add3A_47, %dma_wait3A] : memref<10240x128xf32, #tpu.memory_space<vmem_shared>> -> memref<128x128xf32, #tpu.memory_space<vmem_shared>>
      %dma_wait3A_54 = arith.constant 0 : i32
      %dma_wait3A_55 = tpu.memref_slice %arg6[%add3A_47, %dma_wait3A_54] : memref<10240x128xf32, #tpu.memory_space<vmem_shared>> -> memref<128x128xf32, #tpu.memory_space<vmem_shared>>
      tpu.wait_dma2 semaphore(%run_scoped3A : memref<!tpu.dma_semaphore, #tpu.memory_space<semaphore_mem>>) src(%dma_wait3A_55 : memref<128x128xf32, #tpu.memory_space<vmem_shared>>) dst(%arg11 : memref<128x128xf32, #tpu.memory_space<vmem>>)
      tpu.yield
    }) : () -> ()
    "tpu.region"() ({
      %run_scoped3A = tpu.sem_alloc : memref<!tpu.dma_semaphore, #tpu.memory_space<semaphore_mem>>
      %dma_start3A = arith.constant 0 : i32
      %dma_start3A_50 = tpu.memref_slice %arg4[%add3A_47, %arg0, %dma_start3A] : memref<10240x2x128xf32, #tpu.memory_space<hbm>> -> memref<128x1x128xf32, #tpu.memory_space<hbm>>
      %dma_start3A_51 = tpu.memref_squeeze %dma_start3A_50 : memref<128x1x128xf32, #tpu.memory_space<hbm>> -> memref<128x128xf32, #tpu.memory_space<hbm>>
      %dma_start3A_52 = arith.constant 0 : i32
      %dma_start3A_53 = tpu.memref_slice %arg4[%add3A_47, %arg0, %dma_start3A_52] : memref<10240x2x128xf32, #tpu.memory_space<hbm>> -> memref<128x1x128xf32, #tpu.memory_space<hbm>>
      %dma_start3A_54 = tpu.memref_squeeze %dma_start3A_53 : memref<128x1x128xf32, #tpu.memory_space<hbm>> -> memref<128x128xf32, #tpu.memory_space<hbm>>
      tpu.enqueue_dma source(%arg11 : memref<128x128xf32, #tpu.memory_space<vmem>>) target(%dma_start3A_54 : memref<128x128xf32, #tpu.memory_space<hbm>>) target_semaphore(%run_scoped3A : memref<!tpu.dma_semaphore, #tpu.memory_space<semaphore_mem>>)
      %dma_wait3A = arith.constant 0 : i32
      %dma_wait3A_55 = tpu.memref_slice %arg4[%add3A_47, %arg0, %dma_wait3A] : memref<10240x2x128xf32, #tpu.memory_space<hbm>> -> memref<128x1x128xf32, #tpu.memory_space<hbm>>
      %dma_wait3A_56 = tpu.memref_squeeze %dma_wait3A_55 : memref<128x1x128xf32, #tpu.memory_space<hbm>> -> memref<128x128xf32, #tpu.memory_space<hbm>>
      %dma_wait3A_57 = arith.constant 0 : i32
      %dma_wait3A_58 = tpu.memref_slice %arg4[%add3A_47, %arg0, %dma_wait3A_57] : memref<10240x2x128xf32, #tpu.memory_space<hbm>> -> memref<128x1x128xf32, #tpu.memory_space<hbm>>
      %dma_wait3A_59 = tpu.memref_squeeze %dma_wait3A_58 : memref<128x1x128xf32, #tpu.memory_space<hbm>> -> memref<128x128xf32, #tpu.memory_space<hbm>>
      tpu.wait_dma2 semaphore(%run_scoped3A : memref<!tpu.dma_semaphore, #tpu.memory_space<semaphore_mem>>) src(%arg11 : memref<128x128xf32, #tpu.memory_space<vmem>>) dst(%dma_wait3A_59 : memref<128x128xf32, #tpu.memory_space<hbm>>)
      tpu.yield
    }) : () -> ()
    %eq3A = arith.constant 0 : i32
    %eq3A_48 = arith.cmpi eq, %arg0, %eq3A : i32
    %convert_element_type3A = arith.extui %eq3A_48 : i1 to i32
    %cond3A = arith.constant 0 : i32
    %cond3A_49 = arith.cmpi ne, %convert_element_type3A, %cond3A : i32
    scf.if %cond3A_49 {
      "tpu.region"() ({
        %run_scoped3A = tpu.sem_alloc : memref<!tpu.dma_semaphore, #tpu.memory_space<semaphore_mem>>
        %dma_start3A = arith.constant 0 : i32
        %dma_start3A_50 = tpu.memref_slice %arg7[%mul3A_20, %dma_start3A] : memref<10240x16xf32, #tpu.memory_space<vmem_shared>> -> memref<640x16xf32, #tpu.memory_space<vmem_shared>>
        %dma_start3A_51 = arith.constant 0 : i32
        %dma_start3A_52 = tpu.memref_slice %arg7[%mul3A_20, %dma_start3A_51] : memref<10240x16xf32, #tpu.memory_space<vmem_shared>> -> memref<640x16xf32, #tpu.memory_space<vmem_shared>>
        tpu.enqueue_dma source(%dma_start3A_52 : memref<640x16xf32, #tpu.memory_space<vmem_shared>>) target(%arg12 : memref<640x16xf32, #tpu.memory_space<vmem>>) target_semaphore(%run_scoped3A : memref<!tpu.dma_semaphore, #tpu.memory_space<semaphore_mem>>)
        %dma_wait3A = arith.constant 0 : i32
        %dma_wait3A_53 = tpu.memref_slice %arg7[%mul3A_20, %dma_wait3A] : memref<10240x16xf32, #tpu.memory_space<vmem_shared>> -> memref<640x16xf32, #tpu.memory_space<vmem_shared>>
        %dma_wait3A_54 = arith.constant 0 : i32
        %dma_wait3A_55 = tpu.memref_slice %arg7[%mul3A_20, %dma_wait3A_54] : memref<10240x16xf32, #tpu.memory_space<vmem_shared>> -> memref<640x16xf32, #tpu.memory_space<vmem_shared>>
        tpu.wait_dma2 semaphore(%run_scoped3A : memref<!tpu.dma_semaphore, #tpu.memory_space<semaphore_mem>>) src(%dma_wait3A_55 : memref<640x16xf32, #tpu.memory_space<vmem_shared>>) dst(%arg12 : memref<640x16xf32, #tpu.memory_space<vmem>>)
        tpu.yield
      }) : () -> ()
      "tpu.region"() ({
        %run_scoped3A = tpu.sem_alloc : memref<!tpu.dma_semaphore, #tpu.memory_space<semaphore_mem>>
        %dma_start3A = arith.constant 0 : i32
        %dma_start3A_50 = tpu.memref_slice %arg5[%mul3A_20, %dma_start3A] : memref<10240x16xf32, #tpu.memory_space<hbm>> -> memref<640x16xf32, #tpu.memory_space<hbm>>
        %dma_start3A_51 = arith.constant 0 : i32
        %dma_start3A_52 = tpu.memref_slice %arg5[%mul3A_20, %dma_start3A_51] : memref<10240x16xf32, #tpu.memory_space<hbm>> -> memref<640x16xf32, #tpu.memory_space<hbm>>
        tpu.enqueue_dma source(%arg12 : memref<640x16xf32, #tpu.memory_space<vmem>>) target(%dma_start3A_52 : memref<640x16xf32, #tpu.memory_space<hbm>>) target_semaphore(%run_scoped3A : memref<!tpu.dma_semaphore, #tpu.memory_space<semaphore_mem>>)
        %dma_wait3A = arith.constant 0 : i32
        %dma_wait3A_53 = tpu.memref_slice %arg5[%mul3A_20, %dma_wait3A] : memref<10240x16xf32, #tpu.memory_space<hbm>> -> memref<640x16xf32, #tpu.memory_space<hbm>>
        %dma_wait3A_54 = arith.constant 0 : i32
        %dma_wait3A_55 = tpu.memref_slice %arg5[%mul3A_20, %dma_wait3A_54] : memref<10240x16xf32, #tpu.memory_space<hbm>> -> memref<640x16xf32, #tpu.memory_space<hbm>>
        tpu.wait_dma2 semaphore(%run_scoped3A : memref<!tpu.dma_semaphore, #tpu.memory_space<semaphore_mem>>) src(%arg12 : memref<640x16xf32, #tpu.memory_space<vmem>>) dst(%dma_wait3A_55 : memref<640x16xf32, #tpu.memory_space<hbm>>)
        tpu.yield
      }) : () -> ()
    } else {
    }
    return
  }
}

</mosaic_0001>

<sc_bundles>
// kernel: _segsum_sc.3.cloned.1.call-start
scs
__scs_entry_jumppad:
0x0: {  	(pc) =	sbr.rel $0x88, $3  }
0x1: {  	(tag) =	ssettag $0x0;
	lr =	simm.s32 $0x1  }
0x2: {  	[smem:$0x3F9F] =	sst lr;
	_ =	strace $0xD0000000  }
0x3: {  	_ = 	snop  }
0x4: {  	_ = 	snop  }
0x5: {  	_ = 	snop  }
0x6: {  	_ = 	snop  }
0x7: {  	_ = 	snop  }
__scs_overlays_trampoline_lowered:
0x8: {  	[smem:$0x3FAE] =	sst s0  }
0x9: {  	[smem:$0x3FAF] =	sst s1  }
0xa: {  	[smem:$0x3FB0] =	sst s2  }
0xb: {  	[smem:$0x3FB1] =	sst s3  }
0xc: {  	[smem:$0x3FB2] =	sst s4  }
0xd: {  	[smem:$0x3FB3] =	sst s5  }
0xe: {  	[smem:$0x3FB4] =	sst s6  }
0xf: {  	[smem:$0x3FB5] =	sst s7  }
0x10: {  	[smem:$0x3FB6] =	sst s8  }
0x11: {  	[smem:$0x3FB7] =	sst s9;
	s0 =	simm.s32 @!p0 $0x0  }
0x12: {  	s1 =	sld [smem:$0x3F9D];
	s0 =	simm.s32 @p0 $0x1  }
0x13: {  	[smem:$0x3FB8] =	sst s0;
	s0 =	simm.s32 @!p1 $0x0  }
0x14: {  	s2 =	sld [smem:$0x3F9C];
	s0 =	simm.s32 @p1 $0x1  }
0x15: {  	[smem:$0x3FB9] =	sst s0;
	s0 =	simm.s32 @!p2 $0x0  }
0x16: {  	s3 =	sld [smem:$0x3FDB];
	s0 =	simm.s32 @p2 $0x1  }
0x17: {  	s4 =	simm.s32 $0x1BF5;
	[smem:$0x3FBB] =	sst s0  }
0x18: {  	s0 =	sld [smem:$0x3F9E];
	_ =	swait.ge [sflag:s4], $0x0  }
0x19: {  	s7 =	sld [smem:$0x3F9F]  }
0x1a: {  	s8 =	sadd.s32 $0xFFFFE003, lr  }
0x1b: {  	s9 =	sadd.s32 $0xFFFFFEF7, lr;
	s5 =	simm.s32 $0xFFFFFFFF;
	p2 =	slt.u32 s8, $0xFFFFF086  }
0x1c: {  	p1 =	slt.u32 s9, $0xF7A;
	s5 =	simm.s32 @!p2 $0x0  }
0x1d: {  	s5 =	simm.s32 @p1 $0x1;
	p0 =	seq.s32 s7, s2  }
0x1e: {  	s7 =	smul.u32 @!p0 $0xF7A, s2;
	p2 =	seq.s32 @!p0 s5, $0x0  }
0x1f: {  	s9 =	smul.u32 $0xF7A, s1;
	s8 =	simm.s32 @!p0 $0x1BF5;
	p2 =	por !p2, p0  }
0x20: {  	[sflag:s8] =	ssyncset.s32 @!p0 $0xFFFFF086;
	s6 =	sadd.s32 @!p0 s3, s7;
	s7 =	simm.s32 @!p0 $0x108  }
0x21: {  	s3 =	sadd.s32 s3, s9;
	s6 =	sadd.s32 @!p0 $0x88, s6;
	s7 =	simm.s32 @p2 $0x1082  }
0x22: {  	[simem:s7], [sflag:s8] =	dma.local @!p0 [hbm:s6], $0xF7A  }
0x23: {  	s9 =	sor.u32 $0xD0000000, s2;
	s6 =	simm.s32 $0x108;
	_ =	swait.ge @!p0 [sflag:s8], $0x0  }
0x24: {  	s3 =	sadd.s32 $0x88, s3;
	s6 =	simm.s32 @!p1 $0x1082;
	[sflag:s4] =	ssyncset.s32 $0xFFFFF086  }
0x25: {  	[simem:s6], [sflag:s4] =	dma.local [hbm:s3], $0xF7A  }
0x26: {  	[smem:$0x3F9F] =	sst s1;
	(tag) =	ssettag s2;
	_ =	strace s9  }
0x27: {  	s1 =	sld [smem:$0x3FAF]  }
0x28: {  	s2 =	sld [smem:$0x3FB0]  }
0x29: {  	s4 =	sld [smem:$0x3FB2]  }
0x2a: {  	p0 =	seq.s32 s5, $0x0;
	s5 =	sld [smem:$0x3FB3]  }
0x2b: {  	s6 =	sld [smem:$0x3FB4]  }
0x2c: {  	s7 =	sld [smem:$0x3FB5]  }
0x2d: {  	s3 =	simm.s32 $0x108;
	s8 =	sld [smem:$0x3FB6]  }
0x2e: {  	s3 =	simm.s32 @!p0 $0x1082;
	s9 =	sld [smem:$0x3FB7]  }
0x2f: {  	lr =	sadd.s32 s0, s3;
	s0 =	sld [smem:$0x3FAE]  }
0x30: {  	s3 =	sld [smem:$0x3FB1]  }
0x31: {  	[smem:$0x3FBA] =	sst s10  }
0x32: {  	s10 =	sld [smem:$0x3FB8];
	_ =	sdelay $0x3  }
0x33: {  	p0 =	seq.s32 s10, $0x1;
	s10 =	sld [smem:$0x3FBA];
	_ =	sdelay $0x3  }
0x34: {  	[smem:$0x3FBA] =	sst s10  }
0x35: {  	s10 =	sld [smem:$0x3FB9];
	_ =	sdelay $0x3  }
0x36: {  	p1 =	seq.s32 s10, $0x1;
	s10 =	sld [smem:$0x3FBA];
	_ =	sdelay $0x3  }
0x37: {  	[smem:$0x3FBA] =	sst s10  }
0x38: {  	s10 =	sld [smem:$0x3FBB]  }
0x39: {  	_ = 	snop;
	(pc) =	sbr.ind lr, $3  }
0x3a: {  	_ = 	snop  }
0x3b: {  	_ = 	snop  }
0x3c: {  	p2 =	seq.s32 s10, $0x1;
	s10 =	sld [smem:$0x3FBA]  }
0x3d: {  	_ =	shalt  }
0x3e: {  	_ =	shalt  }
0x3f: {  	_ =	shalt  }
0x40: {  	_ =	shalt  }
0x41: {  	_ =	shalt  }
0x42: {  	_ =	shalt  }
0x43: {  	_ =	shalt  }
0x44: {  	_ =	shalt  }
0x45: {  	_ =	shalt  }
0x46: {  	_ =	shalt  }
0x47: {  	_ =	shalt  }
0x48: {  	_ =	shalt  }
0x49: {  	_ =	shalt  }
0x4a: {  	_ =	shalt  }
0x4b: {  	_ =	shalt  }
0x4c: {  	_ =	shalt  }
0x4d: {  	_ =	shalt  }
0x4e: {  	_ =	shalt  }
0x4f: {  	_ =	shalt  }
0x50: {  	_ =	shalt  }
0x51: {  	_ =	shalt  }
0x52: {  	_ =	shalt  }
0x53: {  	_ =	shalt  }
0x54: {  	_ =	shalt  }
0x55: {  	_ =	shalt  }
0x56: {  	_ =	shalt  }
0x57: {  	_ =	shalt  }
0x58: {  	_ =	shalt  }
0x59: {  	_ =	shalt  }
0x5a: {  	_ =	shalt  }
0x5b: {  	_ =	shalt  }
0x5c: {  	_ =	shalt  }
0x5d: {  	_ =	shalt  }
0x5e: {  	_ =	shalt  }
0x5f: {  	_ =	shalt  }
0x60: {  	_ =	shalt  }
0x61: {  	_ =	shalt  }
0x62: {  	_ =	shalt  }
0x63: {  	_ =	shalt  }
0x64: {  	_ =	shalt  }
0x65: {  	_ =	shalt  }
0x66: {  	_ =	shalt  }
0x67: {  	_ =	shalt  }
0x68: {  	_ =	shalt  }
0x69: {  	_ =	shalt  }
0x6a: {  	_ =	shalt  }
0x6b: {  	_ =	shalt  }
0x6c: {  	_ =	shalt  }
0x6d: {  	_ =	shalt  }
0x6e: {  	_ =	shalt  }
0x6f: {  	_ =	shalt  }
0x70: {  	_ =	shalt  }
0x71: {  	_ =	shalt  }
0x72: {  	_ =	shalt  }
0x73: {  	_ =	shalt  }
0x74: {  	_ =	shalt  }
0x75: {  	_ =	shalt  }
0x76: {  	_ =	shalt  }
0x77: {  	_ =	shalt  }
0x78: {  	_ =	shalt  }
0x79: {  	_ =	shalt  }
0x7a: {  	_ =	shalt  }
0x7b: {  	_ =	shalt  }
0x7c: {  	_ =	shalt  }
0x7d: {  	_ =	shalt  }
0x7e: {  	_ =	shalt  }
0x7f: {  	_ =	shalt  }
0x80: {  	_ =	shalt  }
0x81: {  	_ =	shalt  }
0x82: {  	_ =	shalt  }
0x83: {  	_ =	shalt  }
0x84: {  	_ =	shalt  }
0x85: {  	_ =	shalt  }
0x86: {  	_ =	shalt  }
0x87: {  	_ =	shalt  }
.Lfunc_end0:
.L_simem_size_0:
called_computation_lowered:
.L_overlay_start_0:
0x88: {  	s2 =	sld [smem:$0x3FD9]  }
0x89: {  	s3 =	sld [smem:$0x3FFE];
	_ =	sdelay $0x1  }
0x8a: {  	s1 =	srdreg.scid  }
0x8b: {  	s0 =	sand.u32 $0x1, s1  }
0x8c: {  	s15 =	sshll.u32 s0, $0xA;
	s2 =	sadd.s32 s3, s2  }
0x8d: {  	s2 =	sadd.s32 s2, s15  }
0x8e: {  	[smem:$0x3FC6] =	sst s2  }
0x8f: {  	_ = 	snop  }
0x90: {  	s2 =	sld [smem:$0x3FD0];
	_ =	sdelay $0x1  }
0x91: {  	s16 =	sld [smem:$0x3FC9]  }
0x92: {  	s5 =	simm.s32 $0xA;
	s6 =	simm.s32 $0x10;
	s4 =	sld [smem:$0x3FC8]  }
0x93: {  	[smem:s6], [sflag:s5] =	dma.local [hbm:s2], $0x1  }
0x94: {  	_ =	swait.eq [sflag:s5], $0x1  }
0x95: {  	[sflag:s5] =	ssyncset.done $0x0  }
0x96: {  	s17 =	sld [smem:$0x10];
	[sflag:s5] =	ssyncadd.s32 $0xFFFFFFFF  }
0x97: {  	s18 =	sld [smem:$0x11];
	(tm) =	ssettm $0x1  }
0x98: {  	s19 =	sld [smem:$0x3FFB];
	_ =	sdelay $0x3  }
0x99: {  	_ =	strace s19  }
0x9a: {  	s6 =	sld [smem:$0x3FFC];
	_ =	sdelay $0x3  }
0x9b: {  	_ =	strace s6  }
0x9c: {  	s6 =	sld [smem:$0x3FFD];
	_ =	sdelay $0x3  }
0x9d: {  	_ =	strace s6  }
0x9e: {  	_ =	strace $0x8FFFFFFF  }
0x9f: {  	s20 =	sld [smem:$0x3FDB];
	_ =	sdelay $0x1  }
0xa0: {  	s7 =	simm.s32 $_scs_section_size  }
0xa1: {  	s8 =	simm.s32 $_size__tile_overlayer_lowered;
	s9 =	simm.s32 $_tile_overlayer_lowered  }
0xa2: {  	s23 =	simm.s32 $0x1BFF;
	s22 =	sshll.u32 s9, $0x1;
	s6 =	sadd.s32 s7, s20  }
0xa3: {  	s10 =	simm.s32 $0x0;
	s21 =	sshll.u32 s8, $0x1;
	s8 =	sadd.s32 s22, s6  }
0xa4: {  	[timem:s10], [sflag:s23] =	dma.local [hbm:s8], s21  }
0xa5: {  	_ =	swait.ge [sflag:s23], s21  }
0xa6: {  	s7 =	ssub.s32 $0x0, s21;
	[sflag:s23] =	ssyncset.done $0x0  }
0xa7: {  	[sflag:s23] =	ssyncadd.s32 s7;
	_ =	sdelay $0x1  }
0xa8: {  	s24 =	simm.s32 $0x1B8B  }
0xa9: {  	_ =	swait.ge [sflag:s24], $0x1  }
0xaa: {  	[sflag:s24] =	ssyncset.done $0x0  }
0xab: {  	s25 =	simm.s32 $0x1B8E;
	[sflag:s24] =	ssyncadd.s32 $0xFFFFFFFF  }
0xac: {  	s26 =	simm.s32 $execute0_lowered;
	[smem:$0x3FD2] =	sst s25  }
0xad: {  	s7 =	sshll.u32 s26, $0x1;
	_ =	strace $0x80000046;
	[dreg:$0x1] =	wrdreg $0xFFFFFFFF  }
0xae: {  	s28 =	simm.s32 $_size_execute0_lowered;
	s6 =	sadd.s32 s6, s7;
	[dreg:$0x0] =	wrdreg $0x0  }
0xaf: {  	s7 =	sshll.u32 s28, $0x1;
	[dreg:$0x2] =	wrdreg s6  }
0xb0: {  	[dreg:$0x3] =	wrdreg s7  }
0xb1: {  	[dreg:$0x4] =	wrdreg $0xC0  }
0xb2: {  	_ =	task [dreg:s10], $0x5FFFF  }
0xb3: {  	[dreg:$0x1] =	wrdreg $0xFFFFFFFF  }
0xb4: {  	[dreg:$0x0] =	wrdreg $0x60  }
0xb5: {  	[dreg:$0x2] =	wrdreg s16  }
0xb6: {  	[dreg:$0x3] =	wrdreg s4  }
0xb7: {  	[dreg:$0x4] =	wrdreg s17  }
0xb8: {  	[dreg:$0x5] =	wrdreg s18  }
0xb9: {  	[dreg:$0x6] =	wrdreg $0x0  }
0xba: {  	[dreg:$0x7] =	wrdreg $0x140000  }
0xbb: {  	[dreg:$0x8] =	wrdreg $0x9  }
0xbc: {  	_ =	task.clear_ibuf [dreg:s10], $0x9FFFF;
	_ =	strace $0x90000046  }
0xbd: {  	s29 =	simm.s32 $0x9;
	_ =	strace $0x80000048  }
0xbe: {  	_ =	swait.ge [sflag:s29], $0x1  }
0xbf: {  	[sflag:s29] =	ssyncadd.s32 $0xFFFFFFFF  }
0xc0: {  	_ =	strace $0x90000048  }
0xc1: {  	_ =	sfence  }
0xc2: {  	s30 =	sld [smem:$0x0];
	_ =	sdelay $0x2  }
0xc3: {  	s31 =	sshll.u32 s1, $0xD;
	s1 =	sshrl.u32 s1, $0x2  }
0xc4: {  	s3 =	sand.u32 $0x4000, s31;
	s1 =	sadd.s32 s1, s30  }
0xc5: {  	s0 =	sor.u32 s3, s0;
	s1 =	sshll.u32 s1, $0x11  }
0xc6: {  	s0 =	sor.u32 s1, s0  }
0xc7: {  	s0 =	sadd.s32 $0x8F2B, s0  }
0xc8: {  	[sflag:s0] =	ssyncadd.remote.s32 $0x1  }
0xc9: {  	_ =	sfence.sel $0xFFFF  }
0xca: {  	[dreg:$0x0] =	wrdreg $0xFFFFFFFF;
	(pc) =	sbr.abs _section_cstart, $3  }
0xcb: {  	[dreg:$0x1] =	wrdreg $0xFFFFFFFF  }
0xcc: {  	_ =	task.clear_ibuf [dreg:s10], $0x2FFFF;
	_ =	strace $0x9FFFFFFF  }
0xcd: {  	(tm) =	ssettm $0x7FFFFFFF  }
tec
execute0_lowered:
.L_overlay_start_1:
0x0: {  	(tag) =	ssettag $0x1  }
0x1: {  	s0 =	rddreg [dreg:$0x0]  }
0x2: {  	s1 =	rddreg [dreg:$0x1]  }
0x3: {  	s11 =	rddreg [dreg:$0x2]  }
0x4: {  	s12 =	rddreg [dreg:$0x3]  }
0x5: {  	s2 =	rddreg [dreg:$0x4];
	s23 =	stileid.u32  }
0x6: {  	s3 =	rddreg [dreg:$0x5];
	s8 =	smul.u32 $0x280, s23  }
0x7: {  	s4 =	srdreg.scid;
	s28 =	simm.s32 $0x16800;
	s7 =	smul.u32 $0x50000, s23  }
0x8: {  	s29 =	simm.s32 $0x50;
	s30 =	simm.s32 $0x0;
	s24 =	smul.u32 $0x4E200, s23  }
0x9: {  	s13 =	sand.u32 $0x1, s4;
	s4 =	simm.s32 $0x0;
	s31 =	smul.u32 $0x4E2, s23  }
0xa: {  	s5 =	ssub.s32 $0x2, s13;
	[smem:$0x7FF] =	sst s4;
	s22 =	sshll.u32 s13, $0x4  }
0xb: {  	p0 =	sne.s32 s13, $0x0;
	s6 =	sshrl.u32 s5, $0x1;
	_ =	strace $0x80000047  }
0xc: {  	s16 =	sshrl.u32 s7, $0x2;
	s10 =	sadd.s32 $0x80, s8;
	s14 =	sadd.s32 $0x100, s8  }
0xd: {  	s15 =	sadd.s32 $0x180, s8;
	s0 =	sadd.s32 s24, s0;
	s24 =	simm.s32 $0x2  }
0xe: {  	s17 =	ssub.s32 s5, s6;
	s5 =	sadd.s32 s16, s2;
	s18 =	sshll.u32 s10, $0x7  }
0xf: {  	s19 =	sshll.u32 s14, $0x7;
	s9 =	sshll.u32 s15, $0x7;
	s16 =	sadd.s32 $0x200, s8  }
0x10: {  	s21 =	sshll.u32 s10, $0x8;
	s14 =	sshll.u32 s14, $0x8;
	s15 =	sshll.u32 s15, $0x8  }
0x11: {  	s6 =	sadd.s32 s18, s2;
	s7 =	sadd.s32 s19, s2;
	s18 =	smul.u32 $0x2800, s23  }
0x12: {  	s8 =	sadd.s32 s9, s2;
	s20 =	sshll.u32 s16, $0x7;
	s19 =	smul.u32 $0x28000, s23  }
0x13: {  	s16 =	sshll.u32 s16, $0x8;
	s17 =	smax.u32 s17, $0x1;
	s23 =	simm.s32 $0x19000  }
0x14: {  	s9 =	sadd.s32 s20, s2;
	s20 =	sshll.u32 s13, $0x7;
	s10 =	sadd.s32 s18, s3  }
0x15: {  	s19 =	sor.u32 s20, s19;
	s21 =	sor.u32 s20, s21;
	s14 =	sor.u32 s20, s14  }
0x16: {  	s15 =	sor.u32 s20, s15;
	s16 =	sor.u32 s20, s16;
	s26 =	sshrl.u32 s18, $0x3  }
0x17: {  	s18 =	sadd.s32 s22, s0;
	s20 =	simm.s32 $0x19550;
	s19 =	sshrl.u32 s19, $0x3  }
0x18: {  	s21 =	sshrl.u32 s21, $0x3;
	s14 =	sshrl.u32 s14, $0x3;
	s19 =	sadd.s32 s11, s19  }
0x19: {  	s15 =	sshrl.u32 s15, $0x3;
	s21 =	sadd.s32 s11, s21;
	[dreg:$0x7] =	wrdreg s19  }
0x1a: {  	s16 =	sshrl.u32 s16, $0x3;
	s14 =	sadd.s32 s11, s14;
	[dreg:$0x8] =	wrdreg s21  }
0x1b: {  	s25 =	sadd.s32 s11, s15;
	s15 =	sadd.s32 s11, s16;
	[dreg:$0x9] =	wrdreg s14  }
0x1c: {  	s16 =	sadd.s32 s12, s26;
	s26 =	simm.s32 $0x100;
	[dreg:$0xa] =	wrdreg s25  }
0x1d: {  	v0 =	vimm.f32 $0.0e+00;
	v1 =	vimm.f32 $1.000000000e+00;
	s19 =	sadd.s32 s31, s1;
	s21 =	simm.s32 $0x1;
	s25 =	simm.s32 $0x80  }
.LBB2_1:
0x1e: {  	s0 =	simm.s32 $0x0;
	s1 =	simm.s32 $0x200  }
.LBB2_2:
0x1f: {  	p1 =	sne.s32 s1, $0xFE00;
	[tilespmem:s0+$0x195C0] =	vst v0  }
0x20: {  	[tilespmem:s0+$0x19550] =	vst v0  }
0x21: {  	[tilespmem:s0+$0x19560] =	vst v0  }
.Ltmp0:
0x22: {  	[tilespmem:s0+$0x19570] =	vst v0;
	(pc) =	sbr.rel @p1 .LBB2_2-.Ltmp0, $4  }
0x23: {  	[tilespmem:s0+$0x19580] =	vst v0  }
0x24: {  	[tilespmem:s0+$0x19590] =	vst v0  }
0x25: {  	[tilespmem:s0+$0x195A0] =	vst v0  }
0x26: {  	[tilespmem:s0+$0x195B0] =	vst v0;
	s0 =	sshra.s32 s1, $0x2;
	s1 =	sadd.s32 $0x200, s1  }
0x27: {  	[tilespmem:s0+$0x195C0] =	vst v0  }
0x28: {  	[tilespmem:s0+$0x19550] =	vst v0  }
0x29: {  	[tilespmem:s0+$0x19560] =	vst v0  }
0x2a: {  	[tilespmem:s0+$0x19570] =	vst v0  }
0x2b: {  	[tilespmem:s0+$0x19580] =	vst v0  }
0x2c: {  	[tilespmem:s0+$0x19590] =	vst v0  }
0x2d: {  	[tilespmem:s0+$0x195A0] =	vst v0  }
0x2e: {  	[tilespmem:s0+$0x195B0] =	vst v0;
	s0 =	simm.s32 $0x40;
	s1 =	simm.s32 $0x0  }
.LBB2_4:
0x2f: {  	p1 =	sne.s32 s0, $0x13C0;
	[tilespmem:s1+$0x19050] =	vst v1;
	s1 =	smov.u32 s0;
	s0 =	sadd.s32 $0x40, s0  }
.Ltmp1:
0x30: {  	(pc) =	sbr.rel @p1 .LBB2_4-.Ltmp1, $2  }
0x31: {  	_ =	sdelay $0x2  }
0x32: {  	s1 =	sshra.s32 s1, $0x2  }
0x33: {  	[tilespmem:s1+$0x19050] =	vst v1;
	s0 =	simm.s32 $0x40;
	s1 =	simm.s32 $0x0  }
.LBB2_6:
0x34: {  	p1 =	sne.s32 s0, $0x9FC0;
	[tilespmem:s1+$0x1D550] =	vst v0;
	s1 =	smov.u32 s0;
	s0 =	sadd.s32 $0x40, s0  }
.Ltmp2:
0x35: {  	(pc) =	sbr.rel @p1 .LBB2_6-.Ltmp2, $2  }
0x36: {  	_ =	sdelay $0x2  }
0x37: {  	s1 =	sshra.s32 s1, $0x2  }
0x38: {  	[tilespmem:s1+$0x1D550] =	vst v0  }
0x39: {  	[spmem:s5] =	stream.linear.scatter [tilespmem:s20], [sflag:$0x1], $0x4000, $0x38;
	[tilespmem:$0x1FD50] =	vst v63  }
0x3a: {  	_ =	swait.ge [sflag:s21], $0x4000  }
0x3b: {  	[sflag:s21] =	ssyncset.done $0x0  }
0x3c: {  	[sflag:s21] =	ssyncadd.s32 $0xFFFFC000  }
0x3d: {  	[spmem:s6] =	stream.linear.scatter [tilespmem:s20], [sflag:$0x1], $0x4000, $0x38;
	[tilespmem:$0x1FD50] =	vst v63  }
0x3e: {  	_ =	swait.ge [sflag:s21], $0x4000  }
0x3f: {  	[sflag:s21] =	ssyncset.done $0x0  }
0x40: {  	[sflag:s21] =	ssyncadd.s32 $0xFFFFC000  }
0x41: {  	[spmem:s7] =	stream.linear.scatter [tilespmem:s20], [sflag:$0x1], $0x4000, $0x38;
	[tilespmem:$0x1FD50] =	vst v63  }
0x42: {  	_ =	swait.ge [sflag:s21], $0x4000  }
0x43: {  	[sflag:s21] =	ssyncset.done $0x0  }
0x44: {  	[sflag:s21] =	ssyncadd.s32 $0xFFFFC000  }
0x45: {  	[spmem:s8] =	stream.linear.scatter [tilespmem:s20], [sflag:$0x1], $0x4000, $0x38;
	[tilespmem:$0x1FD50] =	vst v63  }
0x46: {  	_ =	swait.ge [sflag:s21], $0x4000  }
0x47: {  	[sflag:s21] =	ssyncset.done $0x0  }
0x48: {  	[sflag:s21] =	ssyncadd.s32 $0xFFFFC000  }
0x49: {  	[spmem:s9] =	stream.linear.scatter [tilespmem:s20], [sflag:$0x1], $0x4000, $0x38;
	[tilespmem:$0x1FD50] =	vst v63  }
0x4a: {  	_ =	swait.ge [sflag:s21], $0x4000  }
0x4b: {  	[sflag:s21] =	ssyncset.done $0x0  }
0x4c: {  	s0 =	simm.s32 $0x1D550;
	[sflag:s21] =	ssyncadd.s32 $0xFFFFC000  }
0x4d: {  	[spmem:s10] =	stream.linear.scatter [tilespmem:s0], [sflag:$0x1], $0x2800, $0x38;
	[tilespmem:$0x1FD50] =	vst v63  }
0x4e: {  	_ =	swait.ge [sflag:s21], $0x2800  }
0x4f: {  	[sflag:s21] =	ssyncset.done $0x0  }
0x50: {  	[sflag:s21] =	ssyncadd.s32 $0xFFFFD800  }
0x51: {  	s22 =	sadd.s32 $0x0, s19;
	[bflag:$0x0] =	sbarrier.arrive $0xFFFF  }
0x52: {  	[tilespmem:s23], [sflag:$0x2] =	stream.linear.gather [hbm4b:s22+s4], $0x50, $0x38;
	[tilespmem:$0x1FD50] =	vst v63  }
0x53: {  	_ =	swait.ge [sflag:s24], $0x50  }
0x54: {  	[sflag:s24] =	ssyncset.done $0x0  }
0x55: {  	[sflag:s24] =	ssyncadd.s32 $0xFFFFFFB0  }
0x56: {  	[tilespmem:s28], [sflag:$0x2] =	stream.strided.gather [hbm4b:s18+s25], $0x2800, s26, s25, $0x38;
	[tilespmem:$0x1FD50] =	vst v63  }
0x57: {  	_ =	swait.ge [sflag:s24], $0x2800  }
0x58: {  	[sflag:s24] =	ssyncset.done $0x0  }
0x59: {  	[sflag:s24] =	ssyncadd.s32 $0xFFFFD800  }
0x5a: {  	[spmem:s2] =	stream.indirect.scatter.add.f32 [tilespmem:s28], [sflag:$0x2], $0x80, s23, s29, $0xb8;
	[tilespmem:$0x1FD50] =	vst v63  }
0x5b: {  	_ =	swait.ge [sflag:s24], $0x2800  }
0x5c: {  	s31 =	simm.s32 @!p0 $0x1;
	s11 =	simm.s32 @!p0 $0x19000;
	[sflag:s24] =	ssyncset.done $0x0  }
0x5d: {  	s0 =	simm.s32 @!p0 $0x19050;
	s22 =	simm.s32 @!p0 $0x50;
	[sflag:s24] =	ssyncadd.s32 $0xFFFFD800  }
0x5e: {  	[spmem:s3] =	stream.indirect.scatter.add.f32 @!p0 [tilespmem:s0], [sflag:$0x1], $0x10, s11, s22, $0xb8;
	[tilespmem:$0x1FD50] =	vst v63  }
0x5f: {  	s12 =	simm.s32 $0xA;
	_ =	swait.ge @!p0 [sflag:s31], $0x500  }
0x60: {  	s13 =	simm.s32 $0x14;
	s1 =	sadd.s32 $0xA00, s18;
	[sflag:s31] =	ssyncset.done @!p0 $0x0  }
.LBB2_8:
0x61: {  	s14 =	sadd.s32 s12, s19  }
0x62: {  	[sflag:s31] =	ssyncadd.s32 @!p0 $0xFFFFFB00;
	s12 =	smov.u32 s13;
	s13 =	sadd.s32 $0xA, s13  }
0x63: {  	[tilespmem:s23], [sflag:$0x2] =	stream.linear.gather [hbm4b:s14+s4], $0x50, $0x38;
	[tilespmem:$0x1FD50] =	vst v63  }
0x64: {  	p1 =	sne.s32 s13, $0x4E2;
	_ =	swait.ge [sflag:s24], $0x50  }
0x65: {  	[sflag:s24] =	ssyncset.done $0x0  }
0x66: {  	[sflag:s24] =	ssyncadd.s32 $0xFFFFFFB0  }
0x67: {  	[tilespmem:s28], [sflag:$0x2] =	stream.strided.gather [hbm4b:s1+s25], $0x2800, s26, s25, $0x38;
	[tilespmem:$0x1FD50] =	vst v63  }
0x68: {  	_ =	swait.ge [sflag:s24], $0x2800  }
0x69: {  	[sflag:s24] =	ssyncset.done $0x0  }
0x6a: {  	[sflag:s24] =	ssyncadd.s32 $0xFFFFD800  }
0x6b: {  	[spmem:s2] =	stream.indirect.scatter.add.f32 [tilespmem:s28], [sflag:$0x2], $0x80, s23, s29, $0xb8;
	[tilespmem:$0x1FD50] =	vst v63  }
0x6c: {  	_ =	swait.ge [sflag:s24], $0x2800  }
.Ltmp3:
0x6d: {  	[sflag:s24] =	ssyncset.done $0x0;
	(pc) =	sbr.rel @p1 .LBB2_8-.Ltmp3, $4  }
0x6e: {  	[sflag:s24] =	ssyncadd.s32 $0xFFFFD800  }
0x6f: {  	[spmem:s3] =	stream.indirect.scatter.add.f32 @!p0 [tilespmem:s0], [sflag:$0x1], $0x10, s11, s22, $0xb8;
	[tilespmem:$0x1FD50] =	vst v63  }
0x70: {  	_ =	swait.ge @!p0 [sflag:s31], $0x500  }
0x71: {  	s1 =	sadd.s32 $0xA00, s1;
	[sflag:s31] =	ssyncset.done @!p0 $0x0  }
0x72: {  	s0 =	sadd.s32 s12, s19;
	[sflag:s31] =	ssyncadd.s32 @!p0 $0xFFFFFB00  }
0x73: {  	[tilespmem:s23], [sflag:$0x2] =	stream.linear.gather [hbm4b:s0+s4], $0x50, $0x38;
	[tilespmem:$0x1FD50] =	vst v63  }
0x74: {  	_ =	swait.ge [sflag:s24], $0x50  }
0x75: {  	[sflag:s24] =	ssyncset.done $0x0  }
0x76: {  	[sflag:s24] =	ssyncadd.s32 $0xFFFFFFB0  }
0x77: {  	[tilespmem:s28], [sflag:$0x2] =	stream.strided.gather [hbm4b:s1+s25], $0x2800, s26, s25, $0x38;
	[tilespmem:$0x1FD50] =	vst v63  }
0x78: {  	_ =	swait.ge [sflag:s24], $0x2800  }
0x79: {  	[sflag:s24] =	ssyncset.done $0x0  }
0x7a: {  	[sflag:s24] =	ssyncadd.s32 $0xFFFFD800  }
0x7b: {  	[spmem:s2] =	stream.indirect.scatter.add.f32 [tilespmem:s28], [sflag:$0x2], $0x80, s23, s29, $0xb8;
	[tilespmem:$0x1FD50] =	vst v63  }
0x7c: {  	_ =	swait.ge [sflag:s24], $0x2800  }
0x7d: {  	s11 =	simm.s32 @!p0 $0x19000;
	[sflag:s24] =	ssyncset.done $0x0  }
0x7e: {  	s0 =	simm.s32 @!p0 $0x19050;
	s1 =	simm.s32 @!p0 $0x50;
	[sflag:s24] =	ssyncadd.s32 $0xFFFFD800  }
0x7f: {  	[spmem:s3] =	stream.indirect.scatter.add.f32 @!p0 [tilespmem:s0], [sflag:$0x1], $0x10, s11, s1, $0xb8;
	[tilespmem:$0x1FD50] =	vst v63  }
0x80: {  	s0 =	simm.s32 @!p0 $0x1  }
0x81: {  	_ =	swait.ge @!p0 [sflag:s0], $0x500  }
0x82: {  	[sflag:s0] =	ssyncset.done @!p0 $0x0  }
0x83: {  	[sflag:s0] =	ssyncadd.s32 @!p0 $0xFFFFFB00  }
0x84: {  	[bflag:$0x0] =	sbarrier.arrive $0xFFFF  }
0x85: {  	[tilespmem:s20], [sflag:$0x1] =	stream.linear.gather [spmem:s5], $0x4000, $0x38;
	[tilespmem:$0x1FD50] =	vst v63  }
0x86: {  	_ =	swait.ge [sflag:s21], $0x4000  }
0x87: {  	[sflag:s21] =	ssyncset.done $0x0  }
0x88: {  	s13 =	rddreg [dreg:$0x7];
	[sflag:s21] =	ssyncadd.s32 $0xFFFFC000  }
0x89: {  	[hbm4b:s13+s25] =	stream.strided.scatter [tilespmem:s20], [sflag:$0x1], $0x4000, s26, s25, $0x38;
	[tilespmem:$0x1FD50] =	vst v63  }
0x8a: {  	_ =	swait.ge [sflag:s21], $0x4000  }
0x8b: {  	[sflag:s21] =	ssyncset.done $0x0  }
0x8c: {  	[sflag:s21] =	ssyncadd.s32 $0xFFFFC000  }
0x8d: {  	[tilespmem:s20], [sflag:$0x1] =	stream.linear.gather [spmem:s6], $0x4000, $0x38;
	[tilespmem:$0x1FD50] =	vst v63  }
0x8e: {  	_ =	swait.ge [sflag:s21], $0x4000  }
0x8f: {  	[sflag:s21] =	ssyncset.done $0x0  }
0x90: {  	s14 =	rddreg [dreg:$0x8];
	[sflag:s21] =	ssyncadd.s32 $0xFFFFC000  }
0x91: {  	[hbm4b:s14+s25] =	stream.strided.scatter [tilespmem:s20], [sflag:$0x1], $0x4000, s26, s25, $0x38;
	[tilespmem:$0x1FD50] =	vst v63  }
0x92: {  	_ =	swait.ge [sflag:s21], $0x4000  }
0x93: {  	[sflag:s21] =	ssyncset.done $0x0  }
0x94: {  	[sflag:s21] =	ssyncadd.s32 $0xFFFFC000  }
0x95: {  	[tilespmem:s20], [sflag:$0x1] =	stream.linear.gather [spmem:s7], $0x4000, $0x38;
	[tilespmem:$0x1FD50] =	vst v63  }
0x96: {  	_ =	swait.ge [sflag:s21], $0x4000  }
0x97: {  	[sflag:s21] =	ssyncset.done $0x0  }
0x98: {  	s22 =	rddreg [dreg:$0x9];
	[sflag:s21] =	ssyncadd.s32 $0xFFFFC000  }
0x99: {  	[hbm4b:s22+s25] =	stream.strided.scatter [tilespmem:s20], [sflag:$0x1], $0x4000, s26, s25, $0x38;
	[tilespmem:$0x1FD50] =	vst v63  }
0x9a: {  	_ =	swait.ge [sflag:s21], $0x4000  }
0x9b: {  	[sflag:s21] =	ssyncset.done $0x0  }
0x9c: {  	[sflag:s21] =	ssyncadd.s32 $0xFFFFC000  }
0x9d: {  	[tilespmem:s20], [sflag:$0x1] =	stream.linear.gather [spmem:s8], $0x4000, $0x38;
	[tilespmem:$0x1FD50] =	vst v63  }
0x9e: {  	_ =	swait.ge [sflag:s21], $0x4000  }
0x9f: {  	[sflag:s21] =	ssyncset.done $0x0  }
0xa0: {  	s31 =	rddreg [dreg:$0xa];
	[sflag:s21] =	ssyncadd.s32 $0xFFFFC000  }
0xa1: {  	[hbm4b:s31+s25] =	stream.strided.scatter [tilespmem:s20], [sflag:$0x1], $0x4000, s26, s25, $0x38;
	[tilespmem:$0x1FD50] =	vst v63  }
0xa2: {  	_ =	swait.ge [sflag:s21], $0x4000  }
0xa3: {  	[sflag:s21] =	ssyncset.done $0x0  }
0xa4: {  	[sflag:s21] =	ssyncadd.s32 $0xFFFFC000  }
0xa5: {  	[tilespmem:s20], [sflag:$0x1] =	stream.linear.gather [spmem:s9], $0x4000, $0x38;
	[tilespmem:$0x1FD50] =	vst v63  }
0xa6: {  	_ =	swait.ge [sflag:s21], $0x4000  }
0xa7: {  	[sflag:s21] =	ssyncset.done $0x0  }
0xa8: {  	[sflag:s21] =	ssyncadd.s32 $0xFFFFC000  }
0xa9: {  	[hbm4b:s15+s25] =	stream.strided.scatter [tilespmem:s20], [sflag:$0x1], $0x4000, s26, s25, $0x38;
	[tilespmem:$0x1FD50] =	vst v63  }
0xaa: {  	_ =	swait.ge [sflag:s21], $0x4000  }
0xab: {  	[sflag:s21] =	ssyncset.done $0x0  }
0xac: {  	s1 =	simm.s32 @!p0 $0x1D550;
	[sflag:s21] =	ssyncadd.s32 $0xFFFFC000  }
0xad: {  	[tilespmem:s1], [sflag:$0x1] =	stream.linear.gather @!p0 [spmem:s10], $0x2800, $0x38;
	[tilespmem:$0x1FD50] =	vst v63  }
0xae: {  	s30 =	sadd.s32 $0x1, s30;
	_ =	swait.ge @!p0 [sflag:s0], $0x2800  }
0xaf: {  	p1 =	sne.s32 s30, s17;
	[sflag:s0] =	ssyncset.done @!p0 $0x0  }
.Ltmp4:
0xb0: {  	s11 =	simm.s32 @!p0 $0x0;
	[sflag:s0] =	ssyncadd.s32 @!p0 $0xFFFFD800;
	(pc) =	sbr.rel @p1 .LBB2_1-.Ltmp4, $4  }
0xb1: {  	[hbm4b:s16+s11] =	stream.linear.scatter @!p0 [tilespmem:s1], [sflag:$0x1], $0x2800, $0x38;
	[tilespmem:$0x1FD50] =	vst v63  }
0xb2: {  	_ =	swait.ge @!p0 [sflag:s0], $0x2800  }
0xb3: {  	[sflag:s0] =	ssyncset.done @!p0 $0x0  }
0xb4: {  	[sflag:s0] =	ssyncadd.s32 @!p0 $0xFFFFD800  }
0xb5: {  	_ =	sfence.sel $0x180000  }
0xb6: {  	[bflag:$0x0] =	sbarrier.arrive $0xFFFF  }
0xb7: {  	_ =	strace $0x90000047  }
0xb8: {  	s0 =	stileid.u32;
	[bflag:$0x2] =	sbarrier.arrive $0xFFFF  }
0xb9: {  	p0 =	sne.s32 s0, $0x0;
	s0 =	rddreg [dreg:$0x6]  }
0xba: {  	s0 =	sadd.s32 @!p0 $0x100000, s0  }
0xbb: {  	[sflag:s0] =	ssyncadd.tile.s32 @!p0 $0x1;
	_ =	shalt  }
.Lfunc_end2:
_tile_overlayer_lowered:
.L_overlay_start_2:
0xbc: {  	(tag) =	ssettag $0x2  }
0xbd: {  	s0 =	rddreg [dreg:$0x0];
	s2 =	stileid.u32  }
0xbe: {  	s1 =	rddreg [dreg:$0x1];
	p0 =	sne.s32 s2, $0x0  }
0xbf: {  	s3 =	rddreg [dreg:$0x2];
	[bflag:$0x3] =	sbarrier.arrive $0xFFFF;
	s2 =	simm.s32 @!p0 $0x1C01  }
0xc0: {  	[timem:s3], [sflag:s2] =	dma.local @!p0 [hbm:s0], s1  }
0xc1: {  	s0 =	simm.s32 @!p0 $0x1  }
0xc2: {  	_ =	swait.ge @!p0 [sflag:s0], s1  }
0xc3: {  	s1 =	ssub.s32 @!p0 $0x0, s1;
	[sflag:s0] =	ssyncset.done @!p0 $0x0  }
0xc4: {  	[sflag:s0] =	ssyncadd.s32 @!p0 s1  }
0xc5: {  	[bflag:$0x3] =	sbarrier.arrive $0xFFFF  }
0xc6: {  	_ =	shalt  }

</sc_bundles>
